<compile_context>
chip_gen: v7x
topology: tpu7x:2x2x1
jax: 0.10.2.dev20260603
libtpu: 0.0.44.dev20260713+nightly
codegen_flags: <defaults>
</compile_context>

<pallas_src>
import functools

import jax
import jax.numpy as jnp
from jax import lax
from jax.experimental import pallas as pl
from jax.experimental.pallas import tpu as pltpu
from jax.experimental.pallas import tpu_sc as plsc

VOCAB = 1000000
D_BOT = 64
D_MODEL = 128
B = 4096
L = 200
N = B * L
NCHUNK = N // 128

_NC = 2
_NS = 16
_NW = _NC * _NS

_CHUNKS_W = NCHUNK // _NW
_K = 2
_ITERS = _CHUNKS_W // _K

_BLKV = 16384
_NVBLK = -(-VOCAB // _BLKV)
_VPAD = _NVBLK * _BLKV


def _proj_body(t_ref, w_ref, b_ref, o_ref):
    o_ref[...] = (
        jax.lax.dot_general(
            t_ref[...].astype(jnp.bfloat16),
            w_ref[...].astype(jnp.bfloat16),
            dimension_numbers=(((0,), (0,)), ((), ())),
            preferred_element_type=jnp.float32,
        )
        + b_ref[...]
    )


def _tc_project_table(tableT, W, b1):
    return pl.pallas_call(
        _proj_body,
        grid=(_NVBLK,),
        in_specs=[
            pl.BlockSpec((D_BOT, _BLKV), lambda i: (0, i)),
            pl.BlockSpec((D_BOT, D_MODEL), lambda i: (0, 0)),
            pl.BlockSpec((1, D_MODEL), lambda i: (0, 0)),
        ],
        out_specs=pl.BlockSpec((_BLKV, D_MODEL), lambda i: (i, 0)),
        out_shape=jax.ShapeDtypeStruct((_VPAD, D_MODEL), jnp.float32),
        compiler_params=pltpu.CompilerParams(
            dimension_semantics=("arbitrary",),
        ),
    )(tableT, W, b1)


def _sc_gather(x2d, tableWb):
    mesh = plsc.VectorSubcoreMesh(core_axis_name="c", subcore_axis_name="s")

    @functools.partial(
        pl.kernel,
        mesh=mesh,
        out_type=jax.ShapeDtypeStruct((NCHUNK, 128, D_MODEL), jnp.float32),
        scratch_types=[
            pltpu.VMEM((2, _K, 128), jnp.int32),
            pltpu.VMEM((2, _K, 128, D_MODEL), jnp.float32),
            pltpu.SemaphoreType.DMA,
            pltpu.SemaphoreType.DMA,
        ],
        compiler_params=pltpu.CompilerParams(use_tc_tiling_on_sc=True),
    )
    def gather_kernel(idx_hbm, table_hbm, out_hbm, idx_v, rows_v, sem, sem_s):
        wid = lax.axis_index("s") * _NC + lax.axis_index("c")
        base = wid * _CHUNKS_W
        half = _ITERS // 2

        def fire(i, bb):
            c0 = base + i * _K
            pltpu.sync_copy(idx_hbm.at[pl.ds(c0, _K)], idx_v.at[bb])
            for j in range(_K):
                pltpu.async_copy(
                    table_hbm.at[idx_v.at[bb, j]], rows_v.at[bb, j], sem
                )

        def wait_gathers(bb):
            for j in range(_K):
                pltpu.make_async_copy(
                    table_hbm.at[idx_v.at[bb, j]], rows_v.at[bb, j], sem
                ).wait()

        def start_store(i, bb):
            c0 = base + i * _K
            pltpu.async_copy(rows_v.at[bb], out_hbm.at[pl.ds(c0, _K)], sem_s)

        def wait_store(bb):
            pltpu.make_async_copy(
                rows_v.at[bb], out_hbm.at[pl.ds(base, _K)], sem_s
            ).wait()

        fire(0, 0)

        def body(g, carry):
            i0 = 2 * g

            @pl.when(g > 0)
            def _():
                wait_store(1)

            fire(i0 + 1, 1)
            wait_gathers(0)
            start_store(i0, 0)

            @pl.when(g < half - 1)
            def _():
                wait_store(0)
                fire(i0 + 2, 0)

            wait_gathers(1)
            start_store(i0 + 1, 1)
            return carry

        lax.fori_loop(0, half, body, 0)
        wait_store(0)
        wait_store(1)

    return gather_kernel(x2d, tableWb)


def kernel(x, table, W, b):
    x2d = x.astype(jnp.int32).reshape(NCHUNK, 128)
    tableWb = _tc_project_table(table.T, W, b.reshape(1, D_MODEL))
    out = _sc_gather(x2d, tableWb)
    return out.reshape(B, L, D_MODEL)

# --- scband reference (transcript-rebuilt; emitter-appended) ---
"""Pipeline reference for scband-bottleneck-embedding-64089501991465 (READ-ONLY COPY).

The authoritative reference and input builder live on the scoring server;
editing this copy changes nothing except your own understanding.
"""

import jax, jax.numpy as jnp
import numpy as np

VOCAB = 1000000
BOTTLENECK = 64
D_MODEL = 128
B = 4096
L = 200


def setup_inputs(seed: int = 0) -> dict:
    key = jax.random.key(seed)
    k_idx, k_tab, k_w, k_b = jax.random.split(key, 4)
    x = jax.random.randint(k_idx, (B, L), 0, VOCAB, dtype=jnp.int64 if jax.config.jax_enable_x64 else jnp.int32)
    table = jax.random.normal(k_tab, (VOCAB, BOTTLENECK), dtype=jnp.float32)
    W = jax.random.normal(k_w, (BOTTLENECK, D_MODEL), dtype=jnp.float32) * (1.0 / np.sqrt(BOTTLENECK))
    b = jax.random.normal(k_b, (D_MODEL,), dtype=jnp.float32) * 0.01
    return {"x": x, "table": table, "W": W, "b": b}


def reference(x, table, W, b):
    # f1: embedding lookup (gather)
    h = jnp.take(table, x, axis=0)  # [B, L, bottleneck]
    # f2: linear projection
    out = jnp.dot(h, W) + b  # [B, L, d_model]
    return out

if __name__ == "__main__":
    import jax
    _d = setup_inputs()
    print(jax.jit(kernel)(*tuple(_d.values())))

</pallas_src>

<mosaic_0001>
#map = affine_map<(d0, d1) -> (0, 0)>
#map1 = affine_map<(d0, d1) -> (0, 0, 0)>
module attributes {stable_mosaic.version = 14 : i64} {
  func.func @gather_kernel(%arg0: i32, %arg1: i32, %arg2: memref<6400x128xi32, #tpu.memory_space<hbm>>, %arg3: memref<1015808x128xf32, #tpu.memory_space<hbm>>, %arg4: memref<6400x128x128xf32, #tpu.memory_space<hbm>>, %arg5: memref<2x2x128xi32, #tpu.memory_space<vmem>>, %arg6: memref<2x2x128x128xf32, #tpu.memory_space<vmem>>, %arg7: memref<!tpu.dma_semaphore, #tpu.memory_space<semaphore_mem>>, %arg8: memref<!tpu.dma_semaphore, #tpu.memory_space<semaphore_mem>>) attributes {dimension_semantics = [#tpu.dimension_semantics<core_parallel>, #tpu.dimension_semantics<subcore_parallel>], iteration_bounds = array<i64: 2, 16>, scalar_prefetch = 0 : i64, scratch_operands = 4 : i64, tpu.core_type = #tpu.core_type<sc_vector_subcore>, window_params = [{transform_indices = #map}, {transform_indices = #map}, {transform_indices = #map1}]} {
    %mul3A = arith.constant 2 : i32
    %mul3A_0 = arith.muli %arg1, %mul3A : i32
    %add3A = arith.addi %mul3A_0, %arg0 : i32
    %mul3A_1 = arith.constant 200 : i32
    %mul3A_2 = arith.muli %add3A, %mul3A_1 : i32
    %add3A_3 = arith.constant 0 : i32
    %add3A_4 = arith.addi %mul3A_2, %add3A_3 : i32
    %run_scoped3A = arith.constant 0 : i32
    "tpu.region"() ({
      %run_scoped3A_70 = tpu.sem_alloc : memref<!tpu.dma_semaphore, #tpu.memory_space<semaphore_mem>>
      %dma_start3A_71 = arith.constant 0 : i32
      %dma_start3A_72 = arith.constant 0 : i32
      %dma_start3A_73 = tpu.memref_slice %arg5[%run_scoped3A, %dma_start3A_71, %dma_start3A_72] : memref<2x2x128xi32, #tpu.memory_space<vmem>> -> memref<1x2x128xi32, #tpu.memory_space<vmem>>
      %dma_start3A_74 = tpu.memref_squeeze %dma_start3A_73 : memref<1x2x128xi32, #tpu.memory_space<vmem>> -> memref<2x128xi32, #tpu.memory_space<vmem>>
      %dma_start3A_75 = arith.constant 0 : i32
      %dma_start3A_76 = tpu.memref_slice %arg2[%add3A_4, %dma_start3A_75] : memref<6400x128xi32, #tpu.memory_space<hbm>> -> memref<2x128xi32, #tpu.memory_space<hbm>>
      %dma_start3A_77 = arith.constant 0 : i32
      %dma_start3A_78 = arith.constant 0 : i32
      %dma_start3A_79 = tpu.memref_slice %arg5[%run_scoped3A, %dma_start3A_77, %dma_start3A_78] : memref<2x2x128xi32, #tpu.memory_space<vmem>> -> memref<1x2x128xi32, #tpu.memory_space<vmem>>
      %dma_start3A_80 = tpu.memref_squeeze %dma_start3A_79 : memref<1x2x128xi32, #tpu.memory_space<vmem>> -> memref<2x128xi32, #tpu.memory_space<vmem>>
      %dma_start3A_81 = arith.constant 0 : i32
      %dma_start3A_82 = tpu.memref_slice %arg2[%add3A_4, %dma_start3A_81] : memref<6400x128xi32, #tpu.memory_space<hbm>> -> memref<2x128xi32, #tpu.memory_space<hbm>>
      tpu.enqueue_dma source(%dma_start3A_82 : memref<2x128xi32, #tpu.memory_space<hbm>>) target(%dma_start3A_80 : memref<2x128xi32, #tpu.memory_space<vmem>>) target_semaphore(%run_scoped3A_70 : memref<!tpu.dma_semaphore, #tpu.memory_space<semaphore_mem>>)
      %dma_wait3A_83 = arith.constant 0 : i32
      %dma_wait3A_84 = arith.constant 0 : i32
      %dma_wait3A_85 = tpu.memref_slice %arg5[%run_scoped3A, %dma_wait3A_83, %dma_wait3A_84] : memref<2x2x128xi32, #tpu.memory_space<vmem>> -> memref<1x2x128xi32, #tpu.memory_space<vmem>>
      %dma_wait3A_86 = tpu.memref_squeeze %dma_wait3A_85 : memref<1x2x128xi32, #tpu.memory_space<vmem>> -> memref<2x128xi32, #tpu.memory_space<vmem>>
      %dma_wait3A_87 = arith.constant 0 : i32
      %dma_wait3A_88 = tpu.memref_slice %arg2[%add3A_4, %dma_wait3A_87] : memref<6400x128xi32, #tpu.memory_space<hbm>> -> memref<2x128xi32, #tpu.memory_space<hbm>>
      %dma_wait3A_89 = arith.constant 0 : i32
      %dma_wait3A_90 = arith.constant 0 : i32
      %dma_wait3A_91 = tpu.memref_slice %arg5[%run_scoped3A, %dma_wait3A_89, %dma_wait3A_90] : memref<2x2x128xi32, #tpu.memory_space<vmem>> -> memref<1x2x128xi32, #tpu.memory_space<vmem>>
      %dma_wait3A_92 = tpu.memref_squeeze %dma_wait3A_91 : memref<1x2x128xi32, #tpu.memory_space<vmem>> -> memref<2x128xi32, #tpu.memory_space<vmem>>
      %dma_wait3A_93 = arith.constant 0 : i32
      %dma_wait3A_94 = tpu.memref_slice %arg2[%add3A_4, %dma_wait3A_93] : memref<6400x128xi32, #tpu.memory_space<hbm>> -> memref<2x128xi32, #tpu.memory_space<hbm>>
      tpu.wait_dma2 semaphore(%run_scoped3A_70 : memref<!tpu.dma_semaphore, #tpu.memory_space<semaphore_mem>>) src(%dma_wait3A_94 : memref<2x128xi32, #tpu.memory_space<hbm>>) dst(%dma_wait3A_92 : memref<2x128xi32, #tpu.memory_space<vmem>>)
      tpu.yield
    }) : () -> ()
    %dma_start3A = arith.constant 0 : i32
    %dma_start3A_5 = arith.constant 0 : i32
    %dma_start3A_6 = arith.constant 0 : i32
    %dma_start3A_7 = arith.constant 0 : i32
    %dma_start3A_8 = arith.constant 0 : i32
    %dma_start3A_9 = arith.constant 0 : i32
    %dma_start3A_10 = tpu.memref_slice %arg6[%dma_start3A_6, %dma_start3A_7, %dma_start3A_8, %dma_start3A_9] : memref<2x2x128x128xf32, #tpu.memory_space<vmem>> -> memref<1x1x128x128xf32, #tpu.memory_space<vmem>>
    %dma_start3A_11 = tpu.memref_squeeze %dma_start3A_10 : memref<1x1x128x128xf32, #tpu.memory_space<vmem>> -> memref<128x128xf32, #tpu.memory_space<vmem>>
    %dma_start3A_12 = arith.constant 0 : i32
    %dma_start3A_13 = tpu.memref_slice %arg5[%dma_start3A, %dma_start3A_5, %dma_start3A_12] : memref<2x2x128xi32, #tpu.memory_space<vmem>> -> memref<1x1x128xi32, #tpu.memory_space<vmem>>
    %dma_start3A_14 = tpu.memref_squeeze %dma_start3A_13 : memref<1x1x128xi32, #tpu.memory_space<vmem>> -> memref<128xi32, #tpu.memory_space<vmem>>
    %dma_start3A_15 = arith.constant 0 : i32
    %dma_start3A_16 = arith.constant 0 : i32
    %dma_start3A_17 = tpu.memref_slice %arg3[%dma_start3A_15, %dma_start3A_16] : memref<1015808x128xf32, #tpu.memory_space<hbm>> -> memref<1015808x128xf32, #tpu.memory_space<hbm>>
    tpu.enqueue_indirect_dma source(%dma_start3A_17 : memref<1015808x128xf32, #tpu.memory_space<hbm>>) target(%dma_start3A_11 : memref<128x128xf32, #tpu.memory_space<vmem>>) offsets(%dma_start3A_14 : memref<128xi32, #tpu.memory_space<vmem>>) semaphore(%arg7 : memref<!tpu.dma_semaphore, #tpu.memory_space<semaphore_mem>>)
    %dma_start3A_18 = arith.constant 0 : i32
    %dma_start3A_19 = arith.constant 1 : i32
    %dma_start3A_20 = arith.constant 0 : i32
    %dma_start3A_21 = arith.constant 1 : i32
    %dma_start3A_22 = arith.constant 0 : i32
    %dma_start3A_23 = arith.constant 0 : i32
    %dma_start3A_24 = tpu.memref_slice %arg6[%dma_start3A_20, %dma_start3A_21, %dma_start3A_22, %dma_start3A_23] : memref<2x2x128x128xf32, #tpu.memory_space<vmem>> -> memref<1x1x128x128xf32, #tpu.memory_space<vmem>>
    %dma_start3A_25 = tpu.memref_squeeze %dma_start3A_24 : memref<1x1x128x128xf32, #tpu.memory_space<vmem>> -> memref<128x128xf32, #tpu.memory_space<vmem>>
    %dma_start3A_26 = arith.constant 0 : i32
    %dma_start3A_27 = tpu.memref_slice %arg5[%dma_start3A_18, %dma_start3A_19, %dma_start3A_26] : memref<2x2x128xi32, #tpu.memory_space<vmem>> -> memref<1x1x128xi32, #tpu.memory_space<vmem>>
    %dma_start3A_28 = tpu.memref_squeeze %dma_start3A_27 : memref<1x1x128xi32, #tpu.memory_space<vmem>> -> memref<128xi32, #tpu.memory_space<vmem>>
    %dma_start3A_29 = arith.constant 0 : i32
    %dma_start3A_30 = arith.constant 0 : i32
    %dma_start3A_31 = tpu.memref_slice %arg3[%dma_start3A_29, %dma_start3A_30] : memref<1015808x128xf32, #tpu.memory_space<hbm>> -> memref<1015808x128xf32, #tpu.memory_space<hbm>>
    tpu.enqueue_indirect_dma source(%dma_start3A_31 : memref<1015808x128xf32, #tpu.memory_space<hbm>>) target(%dma_start3A_25 : memref<128x128xf32, #tpu.memory_space<vmem>>) offsets(%dma_start3A_28 : memref<128xi32, #tpu.memory_space<vmem>>) semaphore(%arg7 : memref<!tpu.dma_semaphore, #tpu.memory_space<semaphore_mem>>)
    %scan3A = arith.constant 0 : i32
    %scan3A_32 = arith.constant 0 : i32
    %scan3A_33 = arith.constant 50 : i32
    %scan3A_34 = arith.addi %scan3A_32, %scan3A_33 : i32
    %scan3A_35 = arith.constant 1 : i32
    scf.for %scan3A_70 = %scan3A_32 to %scan3A_34 step %scan3A_35  : i32 {
      %mul3A_71 = arith.constant 2 : i32
      %mul3A_72 = arith.muli %mul3A_71, %scan3A_70 : i32
      %gt3A = arith.constant 0 : i32
      %gt3A_73 = arith.cmpi sgt, %scan3A_70, %gt3A : i32
      %convert_element_type3A = arith.extui %gt3A_73 : i1 to i32
      %cond3A = arith.constant 0 : i32
      %cond3A_74 = arith.cmpi ne, %convert_element_type3A, %cond3A : i32
      scf.if %cond3A_74 {
        %dma_wait3A_211 = arith.constant 1 : i32
        %dma_wait3A_212 = arith.constant 0 : i32
        %dma_wait3A_213 = arith.constant 0 : i32
        %dma_wait3A_214 = arith.constant 0 : i32
        %dma_wait3A_215 = tpu.memref_slice %arg6[%dma_wait3A_211, %dma_wait3A_212, %dma_wait3A_213, %dma_wait3A_214] : memref<2x2x128x128xf32, #tpu.memory_space<vmem>> -> memref<1x2x128x128xf32, #tpu.memory_space<vmem>>
        %dma_wait3A_216 = tpu.memref_squeeze %dma_wait3A_215 : memref<1x2x128x128xf32, #tpu.memory_space<vmem>> -> memref<2x128x128xf32, #tpu.memory_space<vmem>>
        %dma_wait3A_217 = arith.constant 0 : i32
        %dma_wait3A_218 = arith.constant 0 : i32
        %dma_wait3A_219 = tpu.memref_slice %arg4[%mul3A_2, %dma_wait3A_217, %dma_wait3A_218] : memref<6400x128x128xf32, #tpu.memory_space<hbm>> -> memref<2x128x128xf32, #tpu.memory_space<hbm>>
        %dma_wait3A_220 = arith.constant 0 : i32
        %dma_wait3A_221 = arith.constant 0 : i32
        %dma_wait3A_222 = tpu.memref_slice %arg4[%mul3A_2, %dma_wait3A_220, %dma_wait3A_221] : memref<6400x128x128xf32, #tpu.memory_space<hbm>> -> memref<2x128x128xf32, #tpu.memory_space<hbm>>
        %dma_wait3A_223 = arith.constant 0 : i32
        %dma_wait3A_224 = arith.constant 0 : i32
        %dma_wait3A_225 = arith.constant 0 : i32
        %dma_wait3A_226 = tpu.memref_slice %arg6[%dma_wait3A_211, %dma_wait3A_223, %dma_wait3A_224, %dma_wait3A_225] : memref<2x2x128x128xf32, #tpu.memory_space<vmem>> -> memref<1x2x128x128xf32, #tpu.memory_space<vmem>>
        %dma_wait3A_227 = tpu.memref_squeeze %dma_wait3A_226 : memref<1x2x128x128xf32, #tpu.memory_space<vmem>> -> memref<2x128x128xf32, #tpu.memory_space<vmem>>
        tpu.wait_dma2 semaphore(%arg8 : memref<!tpu.dma_semaphore, #tpu.memory_space<semaphore_mem>>) src(%dma_wait3A_227 : memref<2x128x128xf32, #tpu.memory_space<vmem>>) dst(%dma_wait3A_222 : memref<2x128x128xf32, #tpu.memory_space<hbm>>)
      } else {
      }
      %add3A_75 = arith.constant 1 : i32
      %add3A_76 = arith.addi %mul3A_72, %add3A_75 : i32
      %mul3A_77 = arith.constant 2 : i32
      %mul3A_78 = arith.muli %add3A_76, %mul3A_77 : i32
      %add3A_79 = arith.addi %mul3A_2, %mul3A_78 : i32
      %run_scoped3A_80 = arith.constant 1 : i32
      "tpu.region"() ({
        %run_scoped3A_211 = tpu.sem_alloc : memref<!tpu.dma_semaphore, #tpu.memory_space<semaphore_mem>>
        %dma_start3A_212 = arith.constant 0 : i32
        %dma_start3A_213 = arith.constant 0 : i32
        %dma_start3A_214 = tpu.memref_slice %arg5[%run_scoped3A_80, %dma_start3A_212, %dma_start3A_213] : memref<2x2x128xi32, #tpu.memory_space<vmem>> -> memref<1x2x128xi32, #tpu.memory_space<vmem>>
        %dma_start3A_215 = tpu.memref_squeeze %dma_start3A_214 : memref<1x2x128xi32, #tpu.memory_space<vmem>> -> memref<2x128xi32, #tpu.memory_space<vmem>>
        %dma_start3A_216 = arith.constant 0 : i32
        %dma_start3A_217 = tpu.memref_slice %arg2[%add3A_79, %dma_start3A_216] : memref<6400x128xi32, #tpu.memory_space<hbm>> -> memref<2x128xi32, #tpu.memory_space<hbm>>
        %dma_start3A_218 = arith.constant 0 : i32
        %dma_start3A_219 = arith.constant 0 : i32
        %dma_start3A_220 = tpu.memref_slice %arg5[%run_scoped3A_80, %dma_start3A_218, %dma_start3A_219] : memref<2x2x128xi32, #tpu.memory_space<vmem>> -> memref<1x2x128xi32, #tpu.memory_space<vmem>>
        %dma_start3A_221 = tpu.memref_squeeze %dma_start3A_220 : memref<1x2x128xi32, #tpu.memory_space<vmem>> -> memref<2x128xi32, #tpu.memory_space<vmem>>
        %dma_start3A_222 = arith.constant 0 : i32
        %dma_start3A_223 = tpu.memref_slice %arg2[%add3A_79, %dma_start3A_222] : memref<6400x128xi32, #tpu.memory_space<hbm>> -> memref<2x128xi32, #tpu.memory_space<hbm>>
        tpu.enqueue_dma source(%dma_start3A_223 : memref<2x128xi32, #tpu.memory_space<hbm>>) target(%dma_start3A_221 : memref<2x128xi32, #tpu.memory_space<vmem>>) target_semaphore(%run_scoped3A_211 : memref<!tpu.dma_semaphore, #tpu.memory_space<semaphore_mem>>)
        %dma_wait3A_224 = arith.constant 0 : i32
        %dma_wait3A_225 = arith.constant 0 : i32
        %dma_wait3A_226 = tpu.memref_slice %arg5[%run_scoped3A_80, %dma_wait3A_224, %dma_wait3A_225] : memref<2x2x128xi32, #tpu.memory_space<vmem>> -> memref<1x2x128xi32, #tpu.memory_space<vmem>>
        %dma_wait3A_227 = tpu.memref_squeeze %dma_wait3A_226 : memref<1x2x128xi32, #tpu.memory_space<vmem>> -> memref<2x128xi32, #tpu.memory_space<vmem>>
        %dma_wait3A_228 = arith.constant 0 : i32
        %dma_wait3A_229 = tpu.memref_slice %arg2[%add3A_79, %dma_wait3A_228] : memref<6400x128xi32, #tpu.memory_space<hbm>> -> memref<2x128xi32, #tpu.memory_space<hbm>>
        %dma_wait3A_230 = arith.constant 0 : i32
        %dma_wait3A_231 = arith.constant 0 : i32
        %dma_wait3A_232 = tpu.memref_slice %arg5[%run_scoped3A_80, %dma_wait3A_230, %dma_wait3A_231] : memref<2x2x128xi32, #tpu.memory_space<vmem>> -> memref<1x2x128xi32, #tpu.memory_space<vmem>>
        %dma_wait3A_233 = tpu.memref_squeeze %dma_wait3A_232 : memref<1x2x128xi32, #tpu.memory_space<vmem>> -> memref<2x128xi32, #tpu.memory_space<vmem>>
        %dma_wait3A_234 = arith.constant 0 : i32
        %dma_wait3A_235 = tpu.memref_slice %arg2[%add3A_79, %dma_wait3A_234] : memref<6400x128xi32, #tpu.memory_space<hbm>> -> memref<2x128xi32, #tpu.memory_space<hbm>>
        tpu.wait_dma2 semaphore(%run_scoped3A_211 : memref<!tpu.dma_semaphore, #tpu.memory_space<semaphore_mem>>) src(%dma_wait3A_235 : memref<2x128xi32, #tpu.memory_space<hbm>>) dst(%dma_wait3A_233 : memref<2x128xi32, #tpu.memory_space<vmem>>)
        tpu.yield
      }) : () -> ()
      %dma_start3A_81 = arith.constant 1 : i32
      %dma_start3A_82 = arith.constant 0 : i32
      %dma_start3A_83 = arith.constant 1 : i32
      %dma_start3A_84 = arith.constant 0 : i32
      %dma_start3A_85 = arith.constant 0 : i32
      %dma_start3A_86 = arith.constant 0 : i32
      %dma_start3A_87 = tpu.memref_slice %arg6[%dma_start3A_83, %dma_start3A_84, %dma_start3A_85, %dma_start3A_86] : memref<2x2x128x128xf32, #tpu.memory_space<vmem>> -> memref<1x1x128x128xf32, #tpu.memory_space<vmem>>
      %dma_start3A_88 = tpu.memref_squeeze %dma_start3A_87 : memref<1x1x128x128xf32, #tpu.memory_space<vmem>> -> memref<128x128xf32, #tpu.memory_space<vmem>>
      %dma_start3A_89 = arith.constant 0 : i32
      %dma_start3A_90 = tpu.memref_slice %arg5[%dma_start3A_81, %dma_start3A_82, %dma_start3A_89] : memref<2x2x128xi32, #tpu.memory_space<vmem>> -> memref<1x1x128xi32, #tpu.memory_space<vmem>>
      %dma_start3A_91 = tpu.memref_squeeze %dma_start3A_90 : memref<1x1x128xi32, #tpu.memory_space<vmem>> -> memref<128xi32, #tpu.memory_space<vmem>>
      %dma_start3A_92 = arith.constant 0 : i32
      %dma_start3A_93 = arith.constant 0 : i32
      %dma_start3A_94 = tpu.memref_slice %arg3[%dma_start3A_92, %dma_start3A_93] : memref<1015808x128xf32, #tpu.memory_space<hbm>> -> memref<1015808x128xf32, #tpu.memory_space<hbm>>
      tpu.enqueue_indirect_dma source(%dma_start3A_94 : memref<1015808x128xf32, #tpu.memory_space<hbm>>) target(%dma_start3A_88 : memref<128x128xf32, #tpu.memory_space<vmem>>) offsets(%dma_start3A_91 : memref<128xi32, #tpu.memory_space<vmem>>) semaphore(%arg7 : memref<!tpu.dma_semaphore, #tpu.memory_space<semaphore_mem>>)
      %dma_start3A_95 = arith.constant 1 : i32
      %dma_start3A_96 = arith.constant 1 : i32
      %dma_start3A_97 = arith.constant 1 : i32
      %dma_start3A_98 = arith.constant 1 : i32
      %dma_start3A_99 = arith.constant 0 : i32
      %dma_start3A_100 = arith.constant 0 : i32
      %dma_start3A_101 = tpu.memref_slice %arg6[%dma_start3A_97, %dma_start3A_98, %dma_start3A_99, %dma_start3A_100] : memref<2x2x128x128xf32, #tpu.memory_space<vmem>> -> memref<1x1x128x128xf32, #tpu.memory_space<vmem>>
      %dma_start3A_102 = tpu.memref_squeeze %dma_start3A_101 : memref<1x1x128x128xf32, #tpu.memory_space<vmem>> -> memref<128x128xf32, #tpu.memory_space<vmem>>
      %dma_start3A_103 = arith.constant 0 : i32
      %dma_start3A_104 = tpu.memref_slice %arg5[%dma_start3A_95, %dma_start3A_96, %dma_start3A_103] : memref<2x2x128xi32, #tpu.memory_space<vmem>> -> memref<1x1x128xi32, #tpu.memory_space<vmem>>
      %dma_start3A_105 = tpu.memref_squeeze %dma_start3A_104 : memref<1x1x128xi32, #tpu.memory_space<vmem>> -> memref<128xi32, #tpu.memory_space<vmem>>
      %dma_start3A_106 = arith.constant 0 : i32
      %dma_start3A_107 = arith.constant 0 : i32
      %dma_start3A_108 = tpu.memref_slice %arg3[%dma_start3A_106, %dma_start3A_107] : memref<1015808x128xf32, #tpu.memory_space<hbm>> -> memref<1015808x128xf32, #tpu.memory_space<hbm>>
      tpu.enqueue_indirect_dma source(%dma_start3A_108 : memref<1015808x128xf32, #tpu.memory_space<hbm>>) target(%dma_start3A_102 : memref<128x128xf32, #tpu.memory_space<vmem>>) offsets(%dma_start3A_105 : memref<128xi32, #tpu.memory_space<vmem>>) semaphore(%arg7 : memref<!tpu.dma_semaphore, #tpu.memory_space<semaphore_mem>>)
      %dma_wait3A_109 = arith.constant 0 : i32
      %dma_wait3A_110 = arith.constant 0 : i32
      %dma_wait3A_111 = arith.constant 0 : i32
      %dma_wait3A_112 = arith.constant 0 : i32
      %dma_wait3A_113 = arith.constant 0 : i32
      %dma_wait3A_114 = arith.constant 0 : i32
      %dma_wait3A_115 = tpu.memref_slice %arg6[%dma_wait3A_111, %dma_wait3A_112, %dma_wait3A_113, %dma_wait3A_114] : memref<2x2x128x128xf32, #tpu.memory_space<vmem>> -> memref<1x1x128x128xf32, #tpu.memory_space<vmem>>
      %dma_wait3A_116 = tpu.memref_squeeze %dma_wait3A_115 : memref<1x1x128x128xf32, #tpu.memory_space<vmem>> -> memref<128x128xf32, #tpu.memory_space<vmem>>
      %dma_wait3A_117 = arith.constant 0 : i32
      %dma_wait3A_118 = tpu.memref_slice %arg5[%dma_wait3A_109, %dma_wait3A_110, %dma_wait3A_117] : memref<2x2x128xi32, #tpu.memory_space<vmem>> -> memref<1x1x128xi32, #tpu.memory_space<vmem>>
      %dma_wait3A_119 = tpu.memref_squeeze %dma_wait3A_118 : memref<1x1x128xi32, #tpu.memory_space<vmem>> -> memref<128xi32, #tpu.memory_space<vmem>>
      %dma_wait3A_120 = arith.constant 0 : i32
      %dma_wait3A_121 = arith.constant 0 : i32
      %dma_wait3A_122 = tpu.memref_slice %arg3[%dma_wait3A_120, %dma_wait3A_121] : memref<1015808x128xf32, #tpu.memory_space<hbm>> -> memref<1015808x128xf32, #tpu.memory_space<hbm>>
      tpu.wait_indirect_dma semaphore(%arg7 : memref<!tpu.dma_semaphore, #tpu.memory_space<semaphore_mem>>) src(%dma_wait3A_122 : memref<1015808x128xf32, #tpu.memory_space<hbm>>) dst(%dma_wait3A_116 : memref<128x128xf32, #tpu.memory_space<vmem>>)
      %dma_wait3A_123 = arith.constant 0 : i32
      %dma_wait3A_124 = arith.constant 1 : i32
      %dma_wait3A_125 = arith.constant 0 : i32
      %dma_wait3A_126 = arith.constant 1 : i32
      %dma_wait3A_127 = arith.constant 0 : i32
      %dma_wait3A_128 = arith.constant 0 : i32
      %dma_wait3A_129 = tpu.memref_slice %arg6[%dma_wait3A_125, %dma_wait3A_126, %dma_wait3A_127, %dma_wait3A_128] : memref<2x2x128x128xf32, #tpu.memory_space<vmem>> -> memref<1x1x128x128xf32, #tpu.memory_space<vmem>>
      %dma_wait3A_130 = tpu.memref_squeeze %dma_wait3A_129 : memref<1x1x128x128xf32, #tpu.memory_space<vmem>> -> memref<128x128xf32, #tpu.memory_space<vmem>>
      %dma_wait3A_131 = arith.constant 0 : i32
      %dma_wait3A_132 = tpu.memref_slice %arg5[%dma_wait3A_123, %dma_wait3A_124, %dma_wait3A_131] : memref<2x2x128xi32, #tpu.memory_space<vmem>> -> memref<1x1x128xi32, #tpu.memory_space<vmem>>
      %dma_wait3A_133 = tpu.memref_squeeze %dma_wait3A_132 : memref<1x1x128xi32, #tpu.memory_space<vmem>> -> memref<128xi32, #tpu.memory_space<vmem>>
      %dma_wait3A_134 = arith.constant 0 : i32
      %dma_wait3A_135 = arith.constant 0 : i32
      %dma_wait3A_136 = tpu.memref_slice %arg3[%dma_wait3A_134, %dma_wait3A_135] : memref<1015808x128xf32, #tpu.memory_space<hbm>> -> memref<1015808x128xf32, #tpu.memory_space<hbm>>
      tpu.wait_indirect_dma semaphore(%arg7 : memref<!tpu.dma_semaphore, #tpu.memory_space<semaphore_mem>>) src(%dma_wait3A_136 : memref<1015808x128xf32, #tpu.memory_space<hbm>>) dst(%dma_wait3A_130 : memref<128x128xf32, #tpu.memory_space<vmem>>)
      %mul3A_137 = arith.constant 2 : i32
      %mul3A_138 = arith.muli %mul3A_72, %mul3A_137 : i32
      %add3A_139 = arith.addi %mul3A_2, %mul3A_138 : i32
      %dma_start3A_140 = arith.constant 0 : i32
      %dma_start3A_141 = arith.constant 0 : i32
      %dma_start3A_142 = arith.constant 0 : i32
      %dma_start3A_143 = arith.constant 0 : i32
      %dma_start3A_144 = tpu.memref_slice %arg6[%dma_start3A_140, %dma_start3A_141, %dma_start3A_142, %dma_start3A_143] : memref<2x2x128x128xf32, #tpu.memory_space<vmem>> -> memref<1x2x128x128xf32, #tpu.memory_space<vmem>>
      %dma_start3A_145 = tpu.memref_squeeze %dma_start3A_144 : memref<1x2x128x128xf32, #tpu.memory_space<vmem>> -> memref<2x128x128xf32, #tpu.memory_space<vmem>>
      %dma_start3A_146 = arith.constant 0 : i32
      %dma_start3A_147 = arith.constant 0 : i32
      %dma_start3A_148 = tpu.memref_slice %arg4[%add3A_139, %dma_start3A_146, %dma_start3A_147] : memref<6400x128x128xf32, #tpu.memory_space<hbm>> -> memref<2x128x128xf32, #tpu.memory_space<hbm>>
      %dma_start3A_149 = arith.constant 0 : i32
      %dma_start3A_150 = arith.constant 0 : i32
      %dma_start3A_151 = tpu.memref_slice %arg4[%add3A_139, %dma_start3A_149, %dma_start3A_150] : memref<6400x128x128xf32, #tpu.memory_space<hbm>> -> memref<2x128x128xf32, #tpu.memory_space<hbm>>
      %dma_start3A_152 = arith.constant 0 : i32
      %dma_start3A_153 = arith.constant 0 : i32
      %dma_start3A_154 = arith.constant 0 : i32
      %dma_start3A_155 = tpu.memref_slice %arg6[%dma_start3A_140, %dma_start3A_152, %dma_start3A_153, %dma_start3A_154] : memref<2x2x128x128xf32, #tpu.memory_space<vmem>> -> memref<1x2x128x128xf32, #tpu.memory_space<vmem>>
      %dma_start3A_156 = tpu.memref_squeeze %dma_start3A_155 : memref<1x2x128x128xf32, #tpu.memory_space<vmem>> -> memref<2x128x128xf32, #tpu.memory_space<vmem>>
      tpu.enqueue_dma source(%dma_start3A_156 : memref<2x128x128xf32, #tpu.memory_space<vmem>>) target(%dma_start3A_151 : memref<2x128x128xf32, #tpu.memory_space<hbm>>) target_semaphore(%arg8 : memref<!tpu.dma_semaphore, #tpu.memory_space<semaphore_mem>>)
      %lt3A = arith.constant 49 : i32
      %lt3A_157 = arith.cmpi slt, %scan3A_70, %lt3A : i32
      %convert_element_type3A_158 = arith.extui %lt3A_157 : i1 to i32
      %cond3A_159 = arith.constant 0 : i32
      %cond3A_160 = arith.cmpi ne, %convert_element_type3A_158, %cond3A_159 : i32
      scf.if %cond3A_160 {
        %dma_wait3A_211 = arith.constant 0 : i32
        %dma_wait3A_212 = arith.constant 0 : i32
        %dma_wait3A_213 = arith.constant 0 : i32
        %dma_wait3A_214 = arith.constant 0 : i32
        %dma_wait3A_215 = tpu.memref_slice %arg6[%dma_wait3A_211, %dma_wait3A_212, %dma_wait3A_213, %dma_wait3A_214] : memref<2x2x128x128xf32, #tpu.memory_space<vmem>> -> memref<1x2x128x128xf32, #tpu.memory_space<vmem>>
        %dma_wait3A_216 = tpu.memref_squeeze %dma_wait3A_215 : memref<1x2x128x128xf32, #tpu.memory_space<vmem>> -> memref<2x128x128xf32, #tpu.memory_space<vmem>>
        %dma_wait3A_217 = arith.constant 0 : i32
        %dma_wait3A_218 = arith.constant 0 : i32
        %dma_wait3A_219 = tpu.memref_slice %arg4[%mul3A_2, %dma_wait3A_217, %dma_wait3A_218] : memref<6400x128x128xf32, #tpu.memory_space<hbm>> -> memref<2x128x128xf32, #tpu.memory_space<hbm>>
        %dma_wait3A_220 = arith.constant 0 : i32
        %dma_wait3A_221 = arith.constant 0 : i32
        %dma_wait3A_222 = tpu.memref_slice %arg4[%mul3A_2, %dma_wait3A_220, %dma_wait3A_221] : memref<6400x128x128xf32, #tpu.memory_space<hbm>> -> memref<2x128x128xf32, #tpu.memory_space<hbm>>
        %dma_wait3A_223 = arith.constant 0 : i32
        %dma_wait3A_224 = arith.constant 0 : i32
        %dma_wait3A_225 = arith.constant 0 : i32
        %dma_wait3A_226 = tpu.memref_slice %arg6[%dma_wait3A_211, %dma_wait3A_223, %dma_wait3A_224, %dma_wait3A_225] : memref<2x2x128x128xf32, #tpu.memory_space<vmem>> -> memref<1x2x128x128xf32, #tpu.memory_space<vmem>>
        %dma_wait3A_227 = tpu.memref_squeeze %dma_wait3A_226 : memref<1x2x128x128xf32, #tpu.memory_space<vmem>> -> memref<2x128x128xf32, #tpu.memory_space<vmem>>
        tpu.wait_dma2 semaphore(%arg8 : memref<!tpu.dma_semaphore, #tpu.memory_space<semaphore_mem>>) src(%dma_wait3A_227 : memref<2x128x128xf32, #tpu.memory_space<vmem>>) dst(%dma_wait3A_222 : memref<2x128x128xf32, #tpu.memory_space<hbm>>)
        %add3A_228 = arith.constant 2 : i32
        %add3A_229 = arith.addi %mul3A_72, %add3A_228 : i32
        %mul3A_230 = arith.constant 2 : i32
        %mul3A_231 = arith.muli %add3A_229, %mul3A_230 : i32
        %add3A_232 = arith.addi %mul3A_2, %mul3A_231 : i32
        %run_scoped3A_233 = arith.constant 0 : i32
        "tpu.region"() ({
          %run_scoped3A_262 = tpu.sem_alloc : memref<!tpu.dma_semaphore, #tpu.memory_space<semaphore_mem>>
          %dma_start3A_263 = arith.constant 0 : i32
          %dma_start3A_264 = arith.constant 0 : i32
          %dma_start3A_265 = tpu.memref_slice %arg5[%run_scoped3A_233, %dma_start3A_263, %dma_start3A_264] : memref<2x2x128xi32, #tpu.memory_space<vmem>> -> memref<1x2x128xi32, #tpu.memory_space<vmem>>
          %dma_start3A_266 = tpu.memref_squeeze %dma_start3A_265 : memref<1x2x128xi32, #tpu.memory_space<vmem>> -> memref<2x128xi32, #tpu.memory_space<vmem>>
          %dma_start3A_267 = arith.constant 0 : i32
          %dma_start3A_268 = tpu.memref_slice %arg2[%add3A_232, %dma_start3A_267] : memref<6400x128xi32, #tpu.memory_space<hbm>> -> memref<2x128xi32, #tpu.memory_space<hbm>>
          %dma_start3A_269 = arith.constant 0 : i32
          %dma_start3A_270 = arith.constant 0 : i32
          %dma_start3A_271 = tpu.memref_slice %arg5[%run_scoped3A_233, %dma_start3A_269, %dma_start3A_270] : memref<2x2x128xi32, #tpu.memory_space<vmem>> -> memref<1x2x128xi32, #tpu.memory_space<vmem>>
          %dma_start3A_272 = tpu.memref_squeeze %dma_start3A_271 : memref<1x2x128xi32, #tpu.memory_space<vmem>> -> memref<2x128xi32, #tpu.memory_space<vmem>>
          %dma_start3A_273 = arith.constant 0 : i32
          %dma_start3A_274 = tpu.memref_slice %arg2[%add3A_232, %dma_start3A_273] : memref<6400x128xi32, #tpu.memory_space<hbm>> -> memref<2x128xi32, #tpu.memory_space<hbm>>
          tpu.enqueue_dma source(%dma_start3A_274 : memref<2x128xi32, #tpu.memory_space<hbm>>) target(%dma_start3A_272 : memref<2x128xi32, #tpu.memory_space<vmem>>) target_semaphore(%run_scoped3A_262 : memref<!tpu.dma_semaphore, #tpu.memory_space<semaphore_mem>>)
          %dma_wait3A_275 = arith.constant 0 : i32
          %dma_wait3A_276 = arith.constant 0 : i32
          %dma_wait3A_277 = tpu.memref_slice %arg5[%run_scoped3A_233, %dma_wait3A_275, %dma_wait3A_276] : memref<2x2x128xi32, #tpu.memory_space<vmem>> -> memref<1x2x128xi32, #tpu.memory_space<vmem>>
          %dma_wait3A_278 = tpu.memref_squeeze %dma_wait3A_277 : memref<1x2x128xi32, #tpu.memory_space<vmem>> -> memref<2x128xi32, #tpu.memory_space<vmem>>
          %dma_wait3A_279 = arith.constant 0 : i32
          %dma_wait3A_280 = tpu.memref_slice %arg2[%add3A_232, %dma_wait3A_279] : memref<6400x128xi32, #tpu.memory_space<hbm>> -> memref<2x128xi32, #tpu.memory_space<hbm>>
          %dma_wait3A_281 = arith.constant 0 : i32
          %dma_wait3A_282 = arith.constant 0 : i32
          %dma_wait3A_283 = tpu.memref_slice %arg5[%run_scoped3A_233, %dma_wait3A_281, %dma_wait3A_282] : memref<2x2x128xi32, #tpu.memory_space<vmem>> -> memref<1x2x128xi32, #tpu.memory_space<vmem>>
          %dma_wait3A_284 = tpu.memref_squeeze %dma_wait3A_283 : memref<1x2x128xi32, #tpu.memory_space<vmem>> -> memref<2x128xi32, #tpu.memory_space<vmem>>
          %dma_wait3A_285 = arith.constant 0 : i32
          %dma_wait3A_286 = tpu.memref_slice %arg2[%add3A_232, %dma_wait3A_285] : memref<6400x128xi32, #tpu.memory_space<hbm>> -> memref<2x128xi32, #tpu.memory_space<hbm>>
          tpu.wait_dma2 semaphore(%run_scoped3A_262 : memref<!tpu.dma_semaphore, #tpu.memory_space<semaphore_mem>>) src(%dma_wait3A_286 : memref<2x128xi32, #tpu.memory_space<hbm>>) dst(%dma_wait3A_284 : memref<2x128xi32, #tpu.memory_space<vmem>>)
          tpu.yield
        }) : () -> ()
        %dma_start3A_234 = arith.constant 0 : i32
        %dma_start3A_235 = arith.constant 0 : i32
        %dma_start3A_236 = arith.constant 0 : i32
        %dma_start3A_237 = arith.constant 0 : i32
        %dma_start3A_238 = arith.constant 0 : i32
        %dma_start3A_239 = arith.constant 0 : i32
        %dma_start3A_240 = tpu.memref_slice %arg6[%dma_start3A_236, %dma_start3A_237, %dma_start3A_238, %dma_start3A_239] : memref<2x2x128x128xf32, #tpu.memory_space<vmem>> -> memref<1x1x128x128xf32, #tpu.memory_space<vmem>>
        %dma_start3A_241 = tpu.memref_squeeze %dma_start3A_240 : memref<1x1x128x128xf32, #tpu.memory_space<vmem>> -> memref<128x128xf32, #tpu.memory_space<vmem>>
        %dma_start3A_242 = arith.constant 0 : i32
        %dma_start3A_243 = tpu.memref_slice %arg5[%dma_start3A_234, %dma_start3A_235, %dma_start3A_242] : memref<2x2x128xi32, #tpu.memory_space<vmem>> -> memref<1x1x128xi32, #tpu.memory_space<vmem>>
        %dma_start3A_244 = tpu.memref_squeeze %dma_start3A_243 : memref<1x1x128xi32, #tpu.memory_space<vmem>> -> memref<128xi32, #tpu.memory_space<vmem>>
        %dma_start3A_245 = arith.constant 0 : i32
        %dma_start3A_246 = arith.constant 0 : i32
        %dma_start3A_247 = tpu.memref_slice %arg3[%dma_start3A_245, %dma_start3A_246] : memref<1015808x128xf32, #tpu.memory_space<hbm>> -> memref<1015808x128xf32, #tpu.memory_space<hbm>>
        tpu.enqueue_indirect_dma source(%dma_start3A_247 : memref<1015808x128xf32, #tpu.memory_space<hbm>>) target(%dma_start3A_241 : memref<128x128xf32, #tpu.memory_space<vmem>>) offsets(%dma_start3A_244 : memref<128xi32, #tpu.memory_space<vmem>>) semaphore(%arg7 : memref<!tpu.dma_semaphore, #tpu.memory_space<semaphore_mem>>)
        %dma_start3A_248 = arith.constant 0 : i32
        %dma_start3A_249 = arith.constant 1 : i32
        %dma_start3A_250 = arith.constant 0 : i32
        %dma_start3A_251 = arith.constant 1 : i32
        %dma_start3A_252 = arith.constant 0 : i32
        %dma_start3A_253 = arith.constant 0 : i32
        %dma_start3A_254 = tpu.memref_slice %arg6[%dma_start3A_250, %dma_start3A_251, %dma_start3A_252, %dma_start3A_253] : memref<2x2x128x128xf32, #tpu.memory_space<vmem>> -> memref<1x1x128x128xf32, #tpu.memory_space<vmem>>
        %dma_start3A_255 = tpu.memref_squeeze %dma_start3A_254 : memref<1x1x128x128xf32, #tpu.memory_space<vmem>> -> memref<128x128xf32, #tpu.memory_space<vmem>>
        %dma_start3A_256 = arith.constant 0 : i32
        %dma_start3A_257 = tpu.memref_slice %arg5[%dma_start3A_248, %dma_start3A_249, %dma_start3A_256] : memref<2x2x128xi32, #tpu.memory_space<vmem>> -> memref<1x1x128xi32, #tpu.memory_space<vmem>>
        %dma_start3A_258 = tpu.memref_squeeze %dma_start3A_257 : memref<1x1x128xi32, #tpu.memory_space<vmem>> -> memref<128xi32, #tpu.memory_space<vmem>>
        %dma_start3A_259 = arith.constant 0 : i32
        %dma_start3A_260 = arith.constant 0 : i32
        %dma_start3A_261 = tpu.memref_slice %arg3[%dma_start3A_259, %dma_start3A_260] : memref<1015808x128xf32, #tpu.memory_space<hbm>> -> memref<1015808x128xf32, #tpu.memory_space<hbm>>
        tpu.enqueue_indirect_dma source(%dma_start3A_261 : memref<1015808x128xf32, #tpu.memory_space<hbm>>) target(%dma_start3A_255 : memref<128x128xf32, #tpu.memory_space<vmem>>) offsets(%dma_start3A_258 : memref<128xi32, #tpu.memory_space<vmem>>) semaphore(%arg7 : memref<!tpu.dma_semaphore, #tpu.memory_space<semaphore_mem>>)
      } else {
      }
      %dma_wait3A_161 = arith.constant 1 : i32
      %dma_wait3A_162 = arith.constant 0 : i32
      %dma_wait3A_163 = arith.constant 1 : i32
      %dma_wait3A_164 = arith.constant 0 : i32
      %dma_wait3A_165 = arith.constant 0 : i32
      %dma_wait3A_166 = arith.constant 0 : i32
      %dma_wait3A_167 = tpu.memref_slice %arg6[%dma_wait3A_163, %dma_wait3A_164, %dma_wait3A_165, %dma_wait3A_166] : memref<2x2x128x128xf32, #tpu.memory_space<vmem>> -> memref<1x1x128x128xf32, #tpu.memory_space<vmem>>
      %dma_wait3A_168 = tpu.memref_squeeze %dma_wait3A_167 : memref<1x1x128x128xf32, #tpu.memory_space<vmem>> -> memref<128x128xf32, #tpu.memory_space<vmem>>
      %dma_wait3A_169 = arith.constant 0 : i32
      %dma_wait3A_170 = tpu.memref_slice %arg5[%dma_wait3A_161, %dma_wait3A_162, %dma_wait3A_169] : memref<2x2x128xi32, #tpu.memory_space<vmem>> -> memref<1x1x128xi32, #tpu.memory_space<vmem>>
      %dma_wait3A_171 = tpu.memref_squeeze %dma_wait3A_170 : memref<1x1x128xi32, #tpu.memory_space<vmem>> -> memref<128xi32, #tpu.memory_space<vmem>>
      %dma_wait3A_172 = arith.constant 0 : i32
      %dma_wait3A_173 = arith.constant 0 : i32
      %dma_wait3A_174 = tpu.memref_slice %arg3[%dma_wait3A_172, %dma_wait3A_173] : memref<1015808x128xf32, #tpu.memory_space<hbm>> -> memref<1015808x128xf32, #tpu.memory_space<hbm>>
      tpu.wait_indirect_dma semaphore(%arg7 : memref<!tpu.dma_semaphore, #tpu.memory_space<semaphore_mem>>) src(%dma_wait3A_174 : memref<1015808x128xf32, #tpu.memory_space<hbm>>) dst(%dma_wait3A_168 : memref<128x128xf32, #tpu.memory_space<vmem>>)
      %dma_wait3A_175 = arith.constant 1 : i32
      %dma_wait3A_176 = arith.constant 1 : i32
      %dma_wait3A_177 = arith.constant 1 : i32
      %dma_wait3A_178 = arith.constant 1 : i32
      %dma_wait3A_179 = arith.constant 0 : i32
      %dma_wait3A_180 = arith.constant 0 : i32
      %dma_wait3A_181 = tpu.memref_slice %arg6[%dma_wait3A_177, %dma_wait3A_178, %dma_wait3A_179, %dma_wait3A_180] : memref<2x2x128x128xf32, #tpu.memory_space<vmem>> -> memref<1x1x128x128xf32, #tpu.memory_space<vmem>>
      %dma_wait3A_182 = tpu.memref_squeeze %dma_wait3A_181 : memref<1x1x128x128xf32, #tpu.memory_space<vmem>> -> memref<128x128xf32, #tpu.memory_space<vmem>>
      %dma_wait3A_183 = arith.constant 0 : i32
      %dma_wait3A_184 = tpu.memref_slice %arg5[%dma_wait3A_175, %dma_wait3A_176, %dma_wait3A_183] : memref<2x2x128xi32, #tpu.memory_space<vmem>> -> memref<1x1x128xi32, #tpu.memory_space<vmem>>
      %dma_wait3A_185 = tpu.memref_squeeze %dma_wait3A_184 : memref<1x1x128xi32, #tpu.memory_space<vmem>> -> memref<128xi32, #tpu.memory_space<vmem>>
      %dma_wait3A_186 = arith.constant 0 : i32
      %dma_wait3A_187 = arith.constant 0 : i32
      %dma_wait3A_188 = tpu.memref_slice %arg3[%dma_wait3A_186, %dma_wait3A_187] : memref<1015808x128xf32, #tpu.memory_space<hbm>> -> memref<1015808x128xf32, #tpu.memory_space<hbm>>
      tpu.wait_indirect_dma semaphore(%arg7 : memref<!tpu.dma_semaphore, #tpu.memory_space<semaphore_mem>>) src(%dma_wait3A_188 : memref<1015808x128xf32, #tpu.memory_space<hbm>>) dst(%dma_wait3A_182 : memref<128x128xf32, #tpu.memory_space<vmem>>)
      %add3A_189 = arith.constant 1 : i32
      %add3A_190 = arith.addi %mul3A_72, %add3A_189 : i32
      %mul3A_191 = arith.constant 2 : i32
      %mul3A_192 = arith.muli %add3A_190, %mul3A_191 : i32
      %add3A_193 = arith.addi %mul3A_2, %mul3A_192 : i32
      %dma_start3A_194 = arith.constant 1 : i32
      %dma_start3A_195 = arith.constant 0 : i32
      %dma_start3A_196 = arith.constant 0 : i32
      %dma_start3A_197 = arith.constant 0 : i32
      %dma_start3A_198 = tpu.memref_slice %arg6[%dma_start3A_194, %dma_start3A_195, %dma_start3A_196, %dma_start3A_197] : memref<2x2x128x128xf32, #tpu.memory_space<vmem>> -> memref<1x2x128x128xf32, #tpu.memory_space<vmem>>
      %dma_start3A_199 = tpu.memref_squeeze %dma_start3A_198 : memref<1x2x128x128xf32, #tpu.memory_space<vmem>> -> memref<2x128x128xf32, #tpu.memory_space<vmem>>
      %dma_start3A_200 = arith.constant 0 : i32
      %dma_start3A_201 = arith.constant 0 : i32
      %dma_start3A_202 = tpu.memref_slice %arg4[%add3A_193, %dma_start3A_200, %dma_start3A_201] : memref<6400x128x128xf32, #tpu.memory_space<hbm>> -> memref<2x128x128xf32, #tpu.memory_space<hbm>>
      %dma_start3A_203 = arith.constant 0 : i32
      %dma_start3A_204 = arith.constant 0 : i32
      %dma_start3A_205 = tpu.memref_slice %arg4[%add3A_193, %dma_start3A_203, %dma_start3A_204] : memref<6400x128x128xf32, #tpu.memory_space<hbm>> -> memref<2x128x128xf32, #tpu.memory_space<hbm>>
      %dma_start3A_206 = arith.constant 0 : i32
      %dma_start3A_207 = arith.constant 0 : i32
      %dma_start3A_208 = arith.constant 0 : i32
      %dma_start3A_209 = tpu.memref_slice %arg6[%dma_start3A_194, %dma_start3A_206, %dma_start3A_207, %dma_start3A_208] : memref<2x2x128x128xf32, #tpu.memory_space<vmem>> -> memref<1x2x128x128xf32, #tpu.memory_space<vmem>>
      %dma_start3A_210 = tpu.memref_squeeze %dma_start3A_209 : memref<1x2x128x128xf32, #tpu.memory_space<vmem>> -> memref<2x128x128xf32, #tpu.memory_space<vmem>>
      tpu.enqueue_dma source(%dma_start3A_210 : memref<2x128x128xf32, #tpu.memory_space<vmem>>) target(%dma_start3A_205 : memref<2x128x128xf32, #tpu.memory_space<hbm>>) target_semaphore(%arg8 : memref<!tpu.dma_semaphore, #tpu.memory_space<semaphore_mem>>)
    }
    %scan3A_36 = arith.constant 50 : i32
    %dma_wait3A = arith.constant 0 : i32
    %dma_wait3A_37 = arith.constant 0 : i32
    %dma_wait3A_38 = arith.constant 0 : i32
    %dma_wait3A_39 = arith.constant 0 : i32
    %dma_wait3A_40 = tpu.memref_slice %arg6[%dma_wait3A, %dma_wait3A_37, %dma_wait3A_38, %dma_wait3A_39] : memref<2x2x128x128xf32, #tpu.memory_space<vmem>> -> memref<1x2x128x128xf32, #tpu.memory_space<vmem>>
    %dma_wait3A_41 = tpu.memref_squeeze %dma_wait3A_40 : memref<1x2x128x128xf32, #tpu.memory_space<vmem>> -> memref<2x128x128xf32, #tpu.memory_space<vmem>>
    %dma_wait3A_42 = arith.constant 0 : i32
    %dma_wait3A_43 = arith.constant 0 : i32
    %dma_wait3A_44 = tpu.memref_slice %arg4[%mul3A_2, %dma_wait3A_42, %dma_wait3A_43] : memref<6400x128x128xf32, #tpu.memory_space<hbm>> -> memref<2x128x128xf32, #tpu.memory_space<hbm>>
    %dma_wait3A_45 = arith.constant 0 : i32
    %dma_wait3A_46 = arith.constant 0 : i32
    %dma_wait3A_47 = tpu.memref_slice %arg4[%mul3A_2, %dma_wait3A_45, %dma_wait3A_46] : memref<6400x128x128xf32, #tpu.memory_space<hbm>> -> memref<2x128x128xf32, #tpu.memory_space<hbm>>
    %dma_wait3A_48 = arith.constant 0 : i32
    %dma_wait3A_49 = arith.constant 0 : i32
    %dma_wait3A_50 = arith.constant 0 : i32
    %dma_wait3A_51 = tpu.memref_slice %arg6[%dma_wait3A, %dma_wait3A_48, %dma_wait3A_49, %dma_wait3A_50] : memref<2x2x128x128xf32, #tpu.memory_space<vmem>> -> memref<1x2x128x128xf32, #tpu.memory_space<vmem>>
    %dma_wait3A_52 = tpu.memref_squeeze %dma_wait3A_51 : memref<1x2x128x128xf32, #tpu.memory_space<vmem>> -> memref<2x128x128xf32, #tpu.memory_space<vmem>>
    tpu.wait_dma2 semaphore(%arg8 : memref<!tpu.dma_semaphore, #tpu.memory_space<semaphore_mem>>) src(%dma_wait3A_52 : memref<2x128x128xf32, #tpu.memory_space<vmem>>) dst(%dma_wait3A_47 : memref<2x128x128xf32, #tpu.memory_space<hbm>>)
    %dma_wait3A_53 = arith.constant 1 : i32
    %dma_wait3A_54 = arith.constant 0 : i32
    %dma_wait3A_55 = arith.constant 0 : i32
    %dma_wait3A_56 = arith.constant 0 : i32
    %dma_wait3A_57 = tpu.memref_slice %arg6[%dma_wait3A_53, %dma_wait3A_54, %dma_wait3A_55, %dma_wait3A_56] : memref<2x2x128x128xf32, #tpu.memory_space<vmem>> -> memref<1x2x128x128xf32, #tpu.memory_space<vmem>>
    %dma_wait3A_58 = tpu.memref_squeeze %dma_wait3A_57 : memref<1x2x128x128xf32, #tpu.memory_space<vmem>> -> memref<2x128x128xf32, #tpu.memory_space<vmem>>
    %dma_wait3A_59 = arith.constant 0 : i32
    %dma_wait3A_60 = arith.constant 0 : i32
    %dma_wait3A_61 = tpu.memref_slice %arg4[%mul3A_2, %dma_wait3A_59, %dma_wait3A_60] : memref<6400x128x128xf32, #tpu.memory_space<hbm>> -> memref<2x128x128xf32, #tpu.memory_space<hbm>>
    %dma_wait3A_62 = arith.constant 0 : i32
    %dma_wait3A_63 = arith.constant 0 : i32
    %dma_wait3A_64 = tpu.memref_slice %arg4[%mul3A_2, %dma_wait3A_62, %dma_wait3A_63] : memref<6400x128x128xf32, #tpu.memory_space<hbm>> -> memref<2x128x128xf32, #tpu.memory_space<hbm>>
    %dma_wait3A_65 = arith.constant 0 : i32
    %dma_wait3A_66 = arith.constant 0 : i32
    %dma_wait3A_67 = arith.constant 0 : i32
    %dma_wait3A_68 = tpu.memref_slice %arg6[%dma_wait3A_53, %dma_wait3A_65, %dma_wait3A_66, %dma_wait3A_67] : memref<2x2x128x128xf32, #tpu.memory_space<vmem>> -> memref<1x2x128x128xf32, #tpu.memory_space<vmem>>
    %dma_wait3A_69 = tpu.memref_squeeze %dma_wait3A_68 : memref<1x2x128x128xf32, #tpu.memory_space<vmem>> -> memref<2x128x128xf32, #tpu.memory_space<vmem>>
    tpu.wait_dma2 semaphore(%arg8 : memref<!tpu.dma_semaphore, #tpu.memory_space<semaphore_mem>>) src(%dma_wait3A_69 : memref<2x128x128xf32, #tpu.memory_space<vmem>>) dst(%dma_wait3A_64 : memref<2x128x128xf32, #tpu.memory_space<hbm>>)
    return
  }
}

module attributes {stable_mosaic.version = 14 : i64} {
  func.func @_proj_body(%arg0: i32, %arg1: memref<64x16384xf32, #tpu.memory_space<vmem>>, %arg2: memref<64x128xf32, #tpu.memory_space<vmem>>, %arg3: memref<1x128xf32, #tpu.memory_space<vmem>>, %arg4: memref<16384x128xf32, #tpu.memory_space<vmem>>) attributes {dimension_semantics = [#tpu.dimension_semantics<arbitrary>], iteration_bounds = array<i64: 62>, scalar_prefetch = 0 : i64, scratch_operands = 0 : i64, tpu.core_type = #tpu.core_type<tc>, window_params = [{transform_indices = @transform_0, window_bounds = array<i64: 64, 16384>}, {pipeline_mode = #tpu.pipeline_mode<synchronous>, transform_indices = @transform_1, window_bounds = array<i64: 64, 128>}, {pipeline_mode = #tpu.pipeline_mode<synchronous>, transform_indices = @transform_2, window_bounds = array<i64: 1, 128>}, {transform_indices = @transform_3, window_bounds = array<i64: 16384, 128>}]} {
    %get3A = arith.constant 0 : index
    %get3A_0 = arith.constant 0 : index
    %get3A_1 = vector.load %arg1[%get3A, %get3A_0] : memref<64x16384xf32, #tpu.memory_space<vmem>>, vector<64x16384xf32>
    %convert_element_type3A = arith.truncf %get3A_1 : vector<64x16384xf32> to vector<64x16384xbf16>
    %get3A_2 = arith.constant 0 : index
    %get3A_3 = arith.constant 0 : index
    %get3A_4 = vector.load %arg2[%get3A_2, %get3A_3] : memref<64x128xf32, #tpu.memory_space<vmem>>, vector<64x128xf32>
    %convert_element_type3A_5 = arith.truncf %get3A_4 : vector<64x128xf32> to vector<64x128xbf16>
    %dot_general3A = arith.constant dense<0.000000e+00> : vector<16384x128xf32>
    %dot_general3A_6 = tpu.matmul %convert_element_type3A, %convert_element_type3A_5, %dot_general3A {dimension_numbers = #tpu.dot_dimension_numbers<[0], [0], [1], [1], [0, 1, 1, 1], [], []>, transpose_lhs_hint = false} : vector<64x16384xbf16>, vector<64x128xbf16>, vector<16384x128xf32> -> vector<16384x128xf32>
    %get3A_7 = arith.constant 0 : index
    %get3A_8 = arith.constant 0 : index
    %get3A_9 = vector.load %arg3[%get3A_7, %get3A_8] : memref<1x128xf32, #tpu.memory_space<vmem>>, vector<1x128xf32>
    %add3A = vector.broadcast %get3A_9 : vector<1x128xf32> to vector<16384x128xf32>
    %add3A_10 = arith.addf %dot_general3A_6, %add3A : vector<16384x128xf32>
    %swap3A = arith.constant 0 : index
    %swap3A_11 = arith.constant 0 : index
    %swap3A_12 = vector.load %arg4[%swap3A, %swap3A_11] : memref<16384x128xf32, #tpu.memory_space<vmem>>, vector<16384x128xf32>
    tpu.vector_store %arg4[%swap3A, %swap3A_11], %add3A_10 {strides = array<i32>} : memref<16384x128xf32, #tpu.memory_space<vmem>>, vector<16384x128xf32>,
    return
  }
  func.func @transform_0(%arg0: i32) -> (i32, i32) {
    %c0_i32 = arith.constant 0 : i32
    %c0_i32_0 = arith.constant 0 : i32
    return %c0_i32, %arg0 : i32, i32
  }
  func.func @transform_1(%arg0: i32) -> (i32, i32) {
    %c0_i32 = arith.constant 0 : i32
    %c0_i32_0 = arith.constant 0 : i32
    %c0_i32_1 = arith.constant 0 : i32
    return %c0_i32, %c0_i32_0 : i32, i32
  }
  func.func @transform_2(%arg0: i32) -> (i32, i32) {
    %c0_i32 = arith.constant 0 : i32
    %c0_i32_0 = arith.constant 0 : i32
    %c0_i32_1 = arith.constant 0 : i32
    return %c0_i32, %c0_i32_0 : i32, i32
  }
  func.func @transform_3(%arg0: i32) -> (i32, i32) {
    %c0_i32 = arith.constant 0 : i32
    %c0_i32_0 = arith.constant 0 : i32
    return %arg0, %c0_i32 : i32, i32
  }
}

</mosaic_0001>

<sc_bundles>
// kernel: kernel.4.cloned.1.call-start
scs
__scs_entry_jumppad:
0x0: {  	(pc) =	sbr.rel $0x88, $3  }
0x1: {  	(tag) =	ssettag $0x0;
	lr =	simm.s32 $0x1  }
0x2: {  	[smem:$0x3F9D] =	sst lr;
	_ =	strace $0xD0000000  }
0x3: {  	_ = 	snop  }
0x4: {  	_ = 	snop  }
0x5: {  	_ = 	snop  }
0x6: {  	_ = 	snop  }
0x7: {  	_ = 	snop  }
__scs_overlays_trampoline_lowered:
0x8: {  	[smem:$0x3FAC] =	sst s0  }
0x9: {  	[smem:$0x3FAD] =	sst s1  }
0xa: {  	[smem:$0x3FAE] =	sst s2  }
0xb: {  	[smem:$0x3FAF] =	sst s3  }
0xc: {  	[smem:$0x3FB0] =	sst s4  }
0xd: {  	[smem:$0x3FB1] =	sst s5  }
0xe: {  	[smem:$0x3FB2] =	sst s6  }
0xf: {  	[smem:$0x3FB3] =	sst s7  }
0x10: {  	[smem:$0x3FB4] =	sst s8  }
0x11: {  	[smem:$0x3FB5] =	sst s9;
	s0 =	simm.s32 @!p0 $0x0  }
0x12: {  	s1 =	sld [smem:$0x3F9B];
	s0 =	simm.s32 @p0 $0x1  }
0x13: {  	[smem:$0x3FB6] =	sst s0;
	s0 =	simm.s32 @!p1 $0x0  }
0x14: {  	s2 =	sld [smem:$0x3F9A];
	s0 =	simm.s32 @p1 $0x1  }
0x15: {  	[smem:$0x3FB7] =	sst s0;
	s0 =	simm.s32 @!p2 $0x0  }
0x16: {  	s3 =	sld [smem:$0x3FDB];
	s0 =	simm.s32 @p2 $0x1  }
0x17: {  	s4 =	simm.s32 $0x1BF5;
	[smem:$0x3FB9] =	sst s0  }
0x18: {  	s0 =	sld [smem:$0x3F9C];
	_ =	swait.ge [sflag:s4], $0x0  }
0x19: {  	s7 =	sld [smem:$0x3F9D]  }
0x1a: {  	s8 =	sadd.s32 $0xFFFFE003, lr  }
0x1b: {  	s9 =	sadd.s32 $0xFFFFFEF7, lr;
	s5 =	simm.s32 $0xFFFFFFFF;
	p2 =	slt.u32 s8, $0xFFFFF086  }
0x1c: {  	p1 =	slt.u32 s9, $0xF7A;
	s5 =	simm.s32 @!p2 $0x0  }
0x1d: {  	s5 =	simm.s32 @p1 $0x1;
	p0 =	seq.s32 s7, s2  }
0x1e: {  	s7 =	smul.u32 @!p0 $0xF7A, s2;
	p2 =	seq.s32 @!p0 s5, $0x0  }
0x1f: {  	s9 =	smul.u32 $0xF7A, s1;
	s8 =	simm.s32 @!p0 $0x1BF5;
	p2 =	por !p2, p0  }
0x20: {  	[sflag:s8] =	ssyncset.s32 @!p0 $0xFFFFF086;
	s6 =	sadd.s32 @!p0 s3, s7;
	s7 =	simm.s32 @!p0 $0x108  }
0x21: {  	s3 =	sadd.s32 s3, s9;
	s6 =	sadd.s32 @!p0 $0x88, s6;
	s7 =	simm.s32 @p2 $0x1082  }
0x22: {  	[simem:s7], [sflag:s8] =	dma.local @!p0 [hbm:s6], $0xF7A  }
0x23: {  	s9 =	sor.u32 $0xD0000000, s2;
	s6 =	simm.s32 $0x108;
	_ =	swait.ge @!p0 [sflag:s8], $0x0  }
0x24: {  	s3 =	sadd.s32 $0x88, s3;
	s6 =	simm.s32 @!p1 $0x1082;
	[sflag:s4] =	ssyncset.s32 $0xFFFFF086  }
0x25: {  	[simem:s6], [sflag:s4] =	dma.local [hbm:s3], $0xF7A  }
0x26: {  	[smem:$0x3F9D] =	sst s1;
	(tag) =	ssettag s2;
	_ =	strace s9  }
0x27: {  	s1 =	sld [smem:$0x3FAD]  }
0x28: {  	s2 =	sld [smem:$0x3FAE]  }
0x29: {  	s4 =	sld [smem:$0x3FB0]  }
0x2a: {  	p0 =	seq.s32 s5, $0x0;
	s5 =	sld [smem:$0x3FB1]  }
0x2b: {  	s6 =	sld [smem:$0x3FB2]  }
0x2c: {  	s7 =	sld [smem:$0x3FB3]  }
0x2d: {  	s3 =	simm.s32 $0x108;
	s8 =	sld [smem:$0x3FB4]  }
0x2e: {  	s3 =	simm.s32 @!p0 $0x1082;
	s9 =	sld [smem:$0x3FB5]  }
0x2f: {  	lr =	sadd.s32 s0, s3;
	s0 =	sld [smem:$0x3FAC]  }
0x30: {  	s3 =	sld [smem:$0x3FAF]  }
0x31: {  	[smem:$0x3FB8] =	sst s10  }
0x32: {  	s10 =	sld [smem:$0x3FB6];
	_ =	sdelay $0x3  }
0x33: {  	p0 =	seq.s32 s10, $0x1;
	s10 =	sld [smem:$0x3FB8];
	_ =	sdelay $0x3  }
0x34: {  	[smem:$0x3FB8] =	sst s10  }
0x35: {  	s10 =	sld [smem:$0x3FB7];
	_ =	sdelay $0x3  }
0x36: {  	p1 =	seq.s32 s10, $0x1;
	s10 =	sld [smem:$0x3FB8];
	_ =	sdelay $0x3  }
0x37: {  	[smem:$0x3FB8] =	sst s10  }
0x38: {  	s10 =	sld [smem:$0x3FB9]  }
0x39: {  	_ = 	snop;
	(pc) =	sbr.ind lr, $3  }
0x3a: {  	_ = 	snop  }
0x3b: {  	_ = 	snop  }
0x3c: {  	p2 =	seq.s32 s10, $0x1;
	s10 =	sld [smem:$0x3FB8]  }
0x3d: {  	_ =	shalt  }
0x3e: {  	_ =	shalt  }
0x3f: {  	_ =	shalt  }
0x40: {  	_ =	shalt  }
0x41: {  	_ =	shalt  }
0x42: {  	_ =	shalt  }
0x43: {  	_ =	shalt  }
0x44: {  	_ =	shalt  }
0x45: {  	_ =	shalt  }
0x46: {  	_ =	shalt  }
0x47: {  	_ =	shalt  }
0x48: {  	_ =	shalt  }
0x49: {  	_ =	shalt  }
0x4a: {  	_ =	shalt  }
0x4b: {  	_ =	shalt  }
0x4c: {  	_ =	shalt  }
0x4d: {  	_ =	shalt  }
0x4e: {  	_ =	shalt  }
0x4f: {  	_ =	shalt  }
0x50: {  	_ =	shalt  }
0x51: {  	_ =	shalt  }
0x52: {  	_ =	shalt  }
0x53: {  	_ =	shalt  }
0x54: {  	_ =	shalt  }
0x55: {  	_ =	shalt  }
0x56: {  	_ =	shalt  }
0x57: {  	_ =	shalt  }
0x58: {  	_ =	shalt  }
0x59: {  	_ =	shalt  }
0x5a: {  	_ =	shalt  }
0x5b: {  	_ =	shalt  }
0x5c: {  	_ =	shalt  }
0x5d: {  	_ =	shalt  }
0x5e: {  	_ =	shalt  }
0x5f: {  	_ =	shalt  }
0x60: {  	_ =	shalt  }
0x61: {  	_ =	shalt  }
0x62: {  	_ =	shalt  }
0x63: {  	_ =	shalt  }
0x64: {  	_ =	shalt  }
0x65: {  	_ =	shalt  }
0x66: {  	_ =	shalt  }
0x67: {  	_ =	shalt  }
0x68: {  	_ =	shalt  }
0x69: {  	_ =	shalt  }
0x6a: {  	_ =	shalt  }
0x6b: {  	_ =	shalt  }
0x6c: {  	_ =	shalt  }
0x6d: {  	_ =	shalt  }
0x6e: {  	_ =	shalt  }
0x6f: {  	_ =	shalt  }
0x70: {  	_ =	shalt  }
0x71: {  	_ =	shalt  }
0x72: {  	_ =	shalt  }
0x73: {  	_ =	shalt  }
0x74: {  	_ =	shalt  }
0x75: {  	_ =	shalt  }
0x76: {  	_ =	shalt  }
0x77: {  	_ =	shalt  }
0x78: {  	_ =	shalt  }
0x79: {  	_ =	shalt  }
0x7a: {  	_ =	shalt  }
0x7b: {  	_ =	shalt  }
0x7c: {  	_ =	shalt  }
0x7d: {  	_ =	shalt  }
0x7e: {  	_ =	shalt  }
0x7f: {  	_ =	shalt  }
0x80: {  	_ =	shalt  }
0x81: {  	_ =	shalt  }
0x82: {  	_ =	shalt  }
0x83: {  	_ =	shalt  }
0x84: {  	_ =	shalt  }
0x85: {  	_ =	shalt  }
0x86: {  	_ =	shalt  }
0x87: {  	_ =	shalt  }
.Lfunc_end0:
.L_simem_size_0:
called_computation_lowered:
.L_overlay_start_0:
0x88: {  	s2 =	sld [smem:$0x3FD9]  }
0x89: {  	s3 =	sld [smem:$0x3FFE];
	_ =	sdelay $0x1  }
0x8a: {  	s1 =	srdreg.scid  }
0x8b: {  	s0 =	sand.u32 $0x1, s1  }
0x8c: {  	s17 =	sshll.u32 s0, $0xA;
	s2 =	sadd.s32 s3, s2  }
0x8d: {  	s2 =	sadd.s32 s2, s17  }
0x8e: {  	[smem:$0x3FC4] =	sst s2  }
0x8f: {  	_ = 	snop  }
0x90: {  	s2 =	sld [smem:$0x3FD0];
	(tm) =	ssettm $0x1  }
0x91: {  	s18 =	sld [smem:$0x3FFB];
	_ =	sdelay $0x3  }
0x92: {  	_ =	strace s18  }
0x93: {  	s3 =	sld [smem:$0x3FFC];
	_ =	sdelay $0x3  }
0x94: {  	_ =	strace s3  }
0x95: {  	s3 =	sld [smem:$0x3FFD];
	_ =	sdelay $0x3  }
0x96: {  	_ =	strace s3  }
0x97: {  	_ =	strace $0x8FFFFFFF  }
0x98: {  	s19 =	sld [smem:$0x3FDB];
	_ =	sdelay $0x1  }
0x99: {  	s4 =	simm.s32 $_scs_section_size  }
0x9a: {  	s5 =	simm.s32 $_size__tile_overlayer_lowered;
	s6 =	simm.s32 $_tile_overlayer_lowered  }
0x9b: {  	s22 =	simm.s32 $0x1BFF;
	s21 =	sshll.u32 s6, $0x1;
	s3 =	sadd.s32 s4, s19  }
0x9c: {  	s7 =	simm.s32 $0x0;
	s20 =	sshll.u32 s5, $0x1;
	s5 =	sadd.s32 s21, s3  }
0x9d: {  	[timem:s7], [sflag:s22] =	dma.local [hbm:s5], s20  }
0x9e: {  	_ =	swait.ge [sflag:s22], s20  }
0x9f: {  	s4 =	ssub.s32 $0x0, s20;
	[sflag:s22] =	ssyncset.done $0x0  }
0xa0: {  	[sflag:s22] =	ssyncadd.s32 s4;
	_ =	sdelay $0x1  }
0xa1: {  	s23 =	simm.s32 $0x1B8B  }
0xa2: {  	_ =	swait.ge [sflag:s23], $0x1  }
0xa3: {  	[sflag:s23] =	ssyncset.done $0x0  }
0xa4: {  	s25 =	simm.s32 $0x1B8E;
	s24 =	sld [smem:$0x3FFE];
	[sflag:s23] =	ssyncadd.s32 $0xFFFFFFFF  }
0xa5: {  	s26 =	simm.s32 $execute0_lowered;
	[smem:$0x3FD2] =	sst s25  }
0xa6: {  	s5 =	sshll.u32 s26, $0x1;
	_ =	strace $0x80000046;
	[dreg:$0x1] =	wrdreg $0xFFFFFFFF  }
0xa7: {  	s28 =	simm.s32 $_size_execute0_lowered;
	s3 =	sadd.s32 s3, s5;
	[dreg:$0x0] =	wrdreg $0x0  }
0xa8: {  	s5 =	sshll.u32 s28, $0x1;
	[dreg:$0x2] =	wrdreg s3  }
0xa9: {  	[dreg:$0x3] =	wrdreg s5  }
0xaa: {  	[dreg:$0x4] =	wrdreg $0xC0  }
0xab: {  	_ =	task [dreg:s7], $0x5FFFF  }
0xac: {  	[dreg:$0x1] =	wrdreg $0xFFFFFFFF  }
0xad: {  	[dreg:$0x0] =	wrdreg $0x60  }
0xae: {  	[dreg:$0x2] =	wrdreg s24  }
0xaf: {  	[dreg:$0x3] =	wrdreg s2  }
0xb0: {  	[dreg:$0x4] =	wrdreg $0x9  }
0xb1: {  	_ =	task.clear_ibuf [dreg:s7], $0x5FFFF;
	_ =	strace $0x90000046  }
0xb2: {  	s29 =	simm.s32 $0x9;
	_ =	strace $0x80000048  }
0xb3: {  	_ =	swait.ge [sflag:s29], $0x1  }
0xb4: {  	[sflag:s29] =	ssyncadd.s32 $0xFFFFFFFF  }
0xb5: {  	_ =	strace $0x90000048  }
0xb6: {  	_ =	sfence  }
0xb7: {  	s30 =	sld [smem:$0x0];
	_ =	sdelay $0x2  }
0xb8: {  	s31 =	sshll.u32 s1, $0xD;
	s1 =	sshrl.u32 s1, $0x2  }
0xb9: {  	s3 =	sand.u32 $0x4000, s31;
	s1 =	sadd.s32 s1, s30  }
0xba: {  	s0 =	sor.u32 s3, s0;
	s1 =	sshll.u32 s1, $0x11  }
0xbb: {  	s0 =	sor.u32 s1, s0  }
0xbc: {  	s0 =	sadd.s32 $0x8F2B, s0  }
0xbd: {  	[sflag:s0] =	ssyncadd.remote.s32 $0x1  }
0xbe: {  	_ =	sfence.sel $0xFFFF  }
0xbf: {  	[dreg:$0x0] =	wrdreg $0xFFFFFFFF;
	(pc) =	sbr.abs _section_cstart, $3  }
0xc0: {  	[dreg:$0x1] =	wrdreg $0xFFFFFFFF  }
0xc1: {  	_ =	task.clear_ibuf [dreg:s7], $0x2FFFF;
	_ =	strace $0x9FFFFFFF  }
0xc2: {  	(tm) =	ssettm $0x7FFFFFFF  }
0xc3: {  	_ =	shalt  }
tec
execute0_lowered:
.L_overlay_start_1:
0x0: {  	(tag) =	ssettag $0x1  }
0x1: {  	s1 =	srdreg.scid  }
0x2: {  	s0 =	stileid.u32;
	s4 =	rddreg [dreg:$0x0]  }
0x3: {  	s7 =	rddreg [dreg:$0x1];
	s2 =	simm.s32 $0x0;
	s13 =	simm.s32 $0x4200  }
0x4: {  	s14 =	simm.s32 $0x100;
	s17 =	simm.s32 $0xC200;
	s15 =	simm.s32 $0x8200  }
0x5: {  	s16 =	simm.s32 $0x180;
	s18 =	simm.s32 $0x2;
	s8 =	smul.u32 $0x640000, s0  }
0x6: {  	s19 =	simm.s32 $0x0;
	s6 =	sand.u32 $0x1, s1;
	s10 =	smul.u32 $0x190, s0  }
0x7: {  	s26 =	sshll.u32 s0, $0x1;
	s1 =	rddreg [dreg:$0x2];
	s29 =	smul.u32 $0x1900, s0  }
0x8: {  	[smem:$0x7FF] =	sst s2;
	s3 =	sor.u32 s6, s26;
	s12 =	smul.u32 $0xC8, s6  }
0x9: {  	_ =	strace $0x80000047;
	s9 =	ssub.s32 $0x2, s6;
	s28 =	smul.u32 $0x320000, s6  }
0xa: {  	s30 =	smul.u32 $0xC80, s6;
	[dreg:$0x3] =	wrdreg s17;
	s17 =	simm.s32 $0x1  }
0xb: {  	s5 =	smul.u32 $0xC80, s3;
	s3 =	sadd.s32 $0x800, s4;
	s11 =	sshrl.u32 s9, $0x1  }
0xc: {  	s4 =	sadd.s32 $0x19800, s4;
	s9 =	ssub.s32 s9, s11;
	s10 =	sadd.s32 s12, s10  }
0xd: {  	s8 =	sadd.s32 s28, s8;
	s11 =	simm.s32 $0x80;
	s12 =	simm.s32 $0x200  }
0xe: {  	s5 =	sadd.s32 s3, s5;
	s10 =	sshll.u32 s10, $0xB;
	s6 =	smax.u32 s9, $0x1  }
0xf: {  	s8 =	sshrl.u32 s8, $0x3;
	s9 =	sadd.s32 s30, s29;
	s31 =	sadd.s32 s10, s7  }
0x10: {  	s7 =	sadd.s32 s8, s7;
	s10 =	simm.s32 $0x3;
	s8 =	sadd.s32 $0x1000, s31  }
.LBB2_1:
0x11: {  	[tilespmem:s2], [sflag:$0x3] =	stream.linear.gather [hbm4b:s5+s2], $0x100, $0x38;
	[tilespmem:$0x10200] =	vst v63  }
0x12: {  	_ =	swait.ge [sflag:s10], $0x100  }
0x13: {  	p0 =	por $0x1, $0x1;
	[sflag:s10] =	ssyncset.done $0x0  }
0x14: {  	p0 =	por p0, p0;
	[sflag:s10] =	ssyncadd.s32 $0xFFFFFF00  }
0x15: {  	[tilespmem:s12], [sflag:$0x1] =	stream.indirect.gather [hbm4b:s4+s11], $0x80, s2, s11, $0xb8;
	[tilespmem:$0x10200] =	vst v63  }
0x16: {  	s20 =	simm.s32 $0x20;
	s21 =	simm.s32 @!p0 $0x2  }
0x17: {  	[tilespmem:s13], [sflag:$0x1] =	stream.indirect.gather [hbm4b:s4+s11], $0x80, s11, s11, $0xb8;
	[tilespmem:$0x10200] =	vst v63  }
0x18: {  	s22 =	sadd.s32 $0x20, s9;
	s20 =	sand.u32 $0x60, s20;
	_ =	swait.ge @!p0 [sflag:s21], $0x8000  }
0x19: {  	s22 =	sand.u32 $0xFFFFF80, s22;
	s20 =	sadd.s32 s3, s20;
	[sflag:s21] =	ssyncset.done @!p0 $0x0  }
0x1a: {  	s20 =	sadd.s32 s22, s20;
	[sflag:s21] =	ssyncadd.s32 @!p0 $0xFFFF8000  }
0x1b: {  	[tilespmem:s14], [sflag:$0x3] =	stream.linear.gather [hbm4b:s20+s2], $0x100, $0x38;
	[tilespmem:$0x10200] =	vst v63  }
0x1c: {  	_ =	swait.ge [sflag:s10], $0x100  }
0x1d: {  	[sflag:s10] =	ssyncset.done $0x0  }
0x1e: {  	[sflag:s10] =	ssyncadd.s32 $0xFFFFFF00  }
0x1f: {  	[tilespmem:s15], [sflag:$0x1] =	stream.indirect.gather [hbm4b:s4+s11], $0x80, s14, s11, $0xb8;
	[tilespmem:$0x10200] =	vst v63  }
0x20: {  	s31 =	rddreg [dreg:$0x3]  }
0x21: {  	[tilespmem:s31], [sflag:$0x1] =	stream.indirect.gather [hbm4b:s4+s11], $0x80, s16, s11, $0xb8;
	[tilespmem:$0x10200] =	vst v63  }
0x22: {  	_ =	swait.ge [sflag:s17], $0x4000  }
0x23: {  	[sflag:s17] =	ssyncset.done $0x0  }
0x24: {  	[sflag:s17] =	ssyncadd.s32 $0xFFFFC000  }
0x25: {  	p0 =	por $0x0, $0x0;
	_ =	swait.ge [sflag:s17], $0x4000  }
0x26: {  	s20 =	simm.s32 $0x40;
	s21 =	simm.s32 @!p0 $0x2;
	[sflag:s17] =	ssyncset.done $0x0  }
0x27: {  	s22 =	sadd.s32 @!p0 $0x40, s9;
	s20 =	sand.u32 @!p0 $0x40, s20;
	[sflag:s17] =	ssyncadd.s32 $0xFFFFC000  }
0x28: {  	[hbm4b:s7+s2] =	stream.linear.scatter [tilespmem:s12], [sflag:$0x2], $0x8000, $0x38;
	[tilespmem:$0x10200] =	vst v63  }
0x29: {  	s22 =	sand.u32 @!p0 $0xFFFFF80, s22;
	s20 =	sadd.s32 @!p0 s3, s20;
	_ =	swait.ge @!p0 [sflag:s21], $0x8000  }
0x2a: {  	s20 =	sadd.s32 @!p0 s22, s20;
	[sflag:s21] =	ssyncset.done @!p0 $0x0  }
0x2b: {  	s22 =	simm.s32 @!p0 $0x0;
	[sflag:s21] =	ssyncadd.s32 @!p0 $0xFFFF8000;
	s21 =	simm.s32 @!p0 $0x3  }
0x2c: {  	[tilespmem:s22], [sflag:$0x3] =	stream.linear.gather @!p0 [hbm4b:s20+s22], $0x100, $0x38;
	[tilespmem:$0x10200] =	vst v63  }
0x2d: {  	_ =	swait.ge @!p0 [sflag:s21], $0x100  }
0x2e: {  	[sflag:s21] =	ssyncset.done @!p0 $0x0  }
0x2f: {  	s23 =	simm.s32 @!p0 $0x200;
	s20 =	simm.s32 @!p0 $0x80;
	[sflag:s21] =	ssyncadd.s32 @!p0 $0xFFFFFF00  }
0x30: {  	[tilespmem:s23], [sflag:$0x1] =	stream.indirect.gather @!p0 [hbm4b:s4+s20], $0x80, s22, s20, $0xb8;
	[tilespmem:$0x10200] =	vst v63  }
0x31: {  	s21 =	simm.s32 @!p0 $0x4200  }
0x32: {  	[tilespmem:s21], [sflag:$0x1] =	stream.indirect.gather @!p0 [hbm4b:s4+s20], $0x80, s20, s20, $0xb8;
	[tilespmem:$0x10200] =	vst v63  }
0x33: {  	_ =	swait.ge [sflag:s17], $0x4000  }
0x34: {  	p6 =	por $0x0, $0x0;
	s25 =	simm.s32 $0x60;
	[sflag:s17] =	ssyncset.done $0x0  }
0x35: {  	s24 =	smov.u32 s8;
	s23 =	simm.s32 $0xC0;
	[sflag:s17] =	ssyncadd.s32 $0xFFFFC000  }
0x36: {  	s22 =	sadd.s32 $0x2000, s7;
	s21 =	simm.s32 $0x80;
	_ =	swait.ge [sflag:s17], $0x4000  }
0x37: {  	p0 =	por p6, p6;
	s20 =	sadd.s32 $0x2000, s8;
	[sflag:s17] =	ssyncset.done $0x0  }
.LBB2_2:
0x38: {  	s26 =	simm.s32 @!p0 $0x2;
	[sflag:s17] =	ssyncadd.s32 $0xFFFFC000  }
0x39: {  	[hbm4b:s24+s2] =	stream.linear.scatter [tilespmem:s15], [sflag:$0x2], $0x8000, $0x38;
	[tilespmem:$0x10200] =	vst v63  }
0x3a: {  	s29 =	sadd.s32 s9, s25;
	s30 =	sand.u32 $0x60, s25;
	_ =	swait.ge @!p0 [sflag:s26], $0x8000  }
0x3b: {  	s24 =	sand.u32 $0xFFFFF80, s29;
	s25 =	sadd.s32 s3, s30;
	[sflag:s26] =	ssyncset.done @!p0 $0x0  }
0x3c: {  	s24 =	sadd.s32 s24, s25;
	[sflag:s26] =	ssyncadd.s32 @!p0 $0xFFFF8000  }
0x3d: {  	[tilespmem:s14], [sflag:$0x3] =	stream.linear.gather [hbm4b:s24+s2], $0x100, $0x38;
	[tilespmem:$0x10200] =	vst v63  }
0x3e: {  	_ =	swait.ge [sflag:s10], $0x100  }
0x3f: {  	[sflag:s10] =	ssyncset.done $0x0  }
0x40: {  	[sflag:s10] =	ssyncadd.s32 $0xFFFFFF00  }
0x41: {  	[tilespmem:s15], [sflag:$0x1] =	stream.indirect.gather [hbm4b:s4+s11], $0x80, s14, s11, $0xb8;
	[tilespmem:$0x10200] =	vst v63  }
0x42: {  	s31 =	rddreg [dreg:$0x3]  }
0x43: {  	[tilespmem:s31], [sflag:$0x1] =	stream.indirect.gather [hbm4b:s4+s11], $0x80, s16, s11, $0xb8;
	[tilespmem:$0x10200] =	vst v63  }
0x44: {  	_ =	swait.ge [sflag:s17], $0x4000  }
0x45: {  	[sflag:s17] =	ssyncset.done $0x0  }
0x46: {  	[sflag:s17] =	ssyncadd.s32 $0xFFFFC000  }
0x47: {  	p2 =	seq.s32 s23, $0x40;
	_ =	swait.ge [sflag:s17], $0x4000  }
0x48: {  	p0 =	por p2, p2;
	p2 =	seq.s32 s21, $0xC80;
	[sflag:s17] =	ssyncset.done $0x0  }
0x49: {  	s25 =	simm.s32 @!p2 $0x2;
	s26 =	sadd.s32 @!p2 s21, s9;
	[sflag:s17] =	ssyncadd.s32 $0xFFFFC000  }
0x4a: {  	[hbm4b:s22+s2] =	stream.linear.scatter [tilespmem:s12], [sflag:$0x2], $0x8000, $0x38;
	[tilespmem:$0x10200] =	vst v63  }
0x4b: {  	s21 =	sand.u32 @!p2 $0x40, s21;
	s29 =	simm.s32 @!p2 $0x0;
	_ =	swait.ge @!p2 [sflag:s25], $0x8000  }
0x4c: {  	s26 =	sand.u32 @!p2 $0xFFFFF80, s26;
	s21 =	sadd.s32 @!p2 s3, s21;
	[sflag:s25] =	ssyncset.done @!p2 $0x0  }
0x4d: {  	s26 =	sadd.s32 @!p2 s26, s21;
	[sflag:s25] =	ssyncadd.s32 @!p2 $0xFFFF8000;
	s25 =	simm.s32 @!p2 $0x3  }
0x4e: {  	[tilespmem:s29], [sflag:$0x3] =	stream.linear.gather @!p2 [hbm4b:s26+s29], $0x100, $0x38;
	[tilespmem:$0x10200] =	vst v63  }
0x4f: {  	s28 =	smov.u32 s23;
	_ =	swait.ge @!p2 [sflag:s25], $0x100  }
0x50: {  	s23 =	sadd.s32 $0x40, s23;
	s21 =	smov.u32 s28;
	[sflag:s25] =	ssyncset.done @!p2 $0x0  }
0x51: {  	s28 =	simm.s32 @!p2 $0x200;
	s26 =	simm.s32 @!p2 $0x80;
	[sflag:s25] =	ssyncadd.s32 @!p2 $0xFFFFFF00  }
0x52: {  	[tilespmem:s28], [sflag:$0x1] =	stream.indirect.gather @!p2 [hbm4b:s4+s26], $0x80, s29, s26, $0xb8;
	[tilespmem:$0x10200] =	vst v63  }
0x53: {  	p1 =	sne.s32 s23, $0xCC0;
	s25 =	simm.s32 @!p2 $0x4200  }
0x54: {  	[tilespmem:s25], [sflag:$0x1] =	stream.indirect.gather @!p2 [hbm4b:s4+s26], $0x80, s26, s26, $0xb8;
	[tilespmem:$0x10200] =	vst v63  }
.Ltmp0:
0x55: {  	_ =	swait.ge [sflag:s17], $0x4000;
	(pc) =	sbr.rel @p1 .LBB2_2-.Ltmp0, $4  }
0x56: {  	[sflag:s17] =	ssyncset.done $0x0  }
0x57: {  	[sflag:s17] =	ssyncadd.s32 $0xFFFFC000  }
0x58: {  	s24 =	smov.u32 s20;
	s20 =	sadd.s32 $0x2000, s20;
	_ =	swait.ge [sflag:s17], $0x4000  }
0x59: {  	s22 =	sadd.s32 $0x2000, s22;
	s25 =	sadd.s32 $0xFFFFFFE0, s21;
	[sflag:s17] =	ssyncset.done $0x0  }
0x5a: {  	s23 =	simm.s32 @!p0 $0x2;
	[sflag:s17] =	ssyncadd.s32 $0xFFFFC000  }
0x5b: {  	[hbm4b:s24+s2] =	stream.linear.scatter [tilespmem:s15], [sflag:$0x2], $0x8000, $0x38;
	[tilespmem:$0x10200] =	vst v63  }
0x5c: {  	s28 =	sadd.s32 s9, s25;
	s29 =	sand.u32 $0x60, s25;
	_ =	swait.ge @!p0 [sflag:s23], $0x8000  }
0x5d: {  	s24 =	sand.u32 $0xFFFFF80, s28;
	s25 =	sadd.s32 s3, s29;
	[sflag:s23] =	ssyncset.done @!p0 $0x0  }
0x5e: {  	s30 =	sadd.s32 s24, s25;
	[sflag:s23] =	ssyncadd.s32 @!p0 $0xFFFF8000  }
0x5f: {  	[tilespmem:s14], [sflag:$0x3] =	stream.linear.gather [hbm4b:s30+s2], $0x100, $0x38;
	[tilespmem:$0x10200] =	vst v63  }
0x60: {  	_ =	swait.ge [sflag:s10], $0x100  }
0x61: {  	[sflag:s10] =	ssyncset.done $0x0  }
0x62: {  	[sflag:s10] =	ssyncadd.s32 $0xFFFFFF00  }
0x63: {  	[tilespmem:s15], [sflag:$0x1] =	stream.indirect.gather [hbm4b:s4+s11], $0x80, s14, s11, $0xb8;
	[tilespmem:$0x10200] =	vst v63  }
0x64: {  	s31 =	rddreg [dreg:$0x3]  }
0x65: {  	[tilespmem:s31], [sflag:$0x1] =	stream.indirect.gather [hbm4b:s4+s11], $0x80, s16, s11, $0xb8;
	[tilespmem:$0x10200] =	vst v63  }
0x66: {  	_ =	swait.ge [sflag:s17], $0x4000  }
0x67: {  	[sflag:s17] =	ssyncset.done $0x0  }
0x68: {  	[sflag:s17] =	ssyncadd.s32 $0xFFFFC000  }
0x69: {  	_ =	swait.ge [sflag:s17], $0x4000  }
0x6a: {  	[sflag:s17] =	ssyncset.done $0x0  }
0x6b: {  	p0 =	seq.s32 s21, $0xC80;
	[sflag:s17] =	ssyncadd.s32 $0xFFFFC000  }
0x6c: {  	[hbm4b:s22+s2] =	stream.linear.scatter [tilespmem:s12], [sflag:$0x2], $0x8000, $0x38;
	[tilespmem:$0x10200] =	vst v63  }
0x6d: {  	s23 =	sadd.s32 @!p0 s21, s9;
	s21 =	sand.u32 @!p0 $0x40, s21;
	s22 =	simm.s32 @!p0 $0x2  }
0x6e: {  	s23 =	sand.u32 @!p0 $0xFFFFF80, s23;
	s21 =	sadd.s32 @!p0 s3, s21;
	_ =	swait.ge @!p0 [sflag:s22], $0x8000  }
0x6f: {  	s21 =	sadd.s32 @!p0 s23, s21;
	[sflag:s22] =	ssyncset.done @!p0 $0x0  }
0x70: {  	s23 =	simm.s32 @!p0 $0x0;
	[sflag:s22] =	ssyncadd.s32 @!p0 $0xFFFF8000;
	s22 =	simm.s32 @!p0 $0x3  }
0x71: {  	[tilespmem:s23], [sflag:$0x3] =	stream.linear.gather @!p0 [hbm4b:s21+s23], $0x100, $0x38;
	[tilespmem:$0x10200] =	vst v63  }
0x72: {  	_ =	swait.ge @!p0 [sflag:s22], $0x100  }
0x73: {  	[sflag:s22] =	ssyncset.done @!p0 $0x0  }
0x74: {  	s24 =	simm.s32 @!p0 $0x200;
	s21 =	simm.s32 @!p0 $0x80;
	[sflag:s22] =	ssyncadd.s32 @!p0 $0xFFFFFF00  }
0x75: {  	[tilespmem:s24], [sflag:$0x1] =	stream.indirect.gather @!p0 [hbm4b:s4+s21], $0x80, s23, s21, $0xb8;
	[tilespmem:$0x10200] =	vst v63  }
0x76: {  	s22 =	simm.s32 @!p0 $0x4200  }
0x77: {  	[tilespmem:s22], [sflag:$0x1] =	stream.indirect.gather @!p0 [hbm4b:s4+s21], $0x80, s21, s21, $0xb8;
	[tilespmem:$0x10200] =	vst v63  }
0x78: {  	_ =	swait.ge [sflag:s17], $0x4000  }
0x79: {  	[sflag:s17] =	ssyncset.done $0x0  }
0x7a: {  	[sflag:s17] =	ssyncadd.s32 $0xFFFFC000  }
0x7b: {  	_ =	swait.ge [sflag:s17], $0x4000  }
0x7c: {  	[sflag:s17] =	ssyncset.done $0x0  }
0x7d: {  	s19 =	sadd.s32 $0x1, s19;
	[sflag:s17] =	ssyncadd.s32 $0xFFFFC000  }
0x7e: {  	[hbm4b:s20+s2] =	stream.linear.scatter [tilespmem:s15], [sflag:$0x2], $0x8000, $0x38;
	[tilespmem:$0x10200] =	vst v63  }
0x7f: {  	p0 =	sne.s32 s19, s6;
	_ =	swait.ge [sflag:s18], $0x8000  }
.Ltmp1:
0x80: {  	[sflag:s18] =	ssyncset.done $0x0;
	(pc) =	sbr.rel @p0 .LBB2_1-.Ltmp1, $4  }
0x81: {  	[sflag:s18] =	ssyncadd.s32 $0xFFFF8000  }
0x82: {  	_ =	swait.ge [sflag:s18], $0x8000  }
0x83: {  	[sflag:s18] =	ssyncset.done $0x0  }
0x84: {  	[sflag:s18] =	ssyncadd.s32 $0xFFFF8000  }
0x85: {  	_ =	sfence.sel $0x180000  }
0x86: {  	[bflag:$0x0] =	sbarrier.arrive $0xFFFF  }
0x87: {  	p0 =	sne.s32 s0, $0x0;
	_ =	strace $0x90000047  }
0x88: {  	s0 =	sadd.s32 @!p0 $0x100000, s1;
	[bflag:$0x2] =	sbarrier.arrive $0xFFFF  }
0x89: {  	[sflag:s0] =	ssyncadd.tile.s32 @!p0 $0x1;
	_ =	shalt  }
.Lfunc_end2:
_tile_overlayer_lowered:
.L_overlay_start_2:
0x8a: {  	(tag) =	ssettag $0x2  }
0x8b: {  	s0 =	rddreg [dreg:$0x0];
	s2 =	stileid.u32  }
0x8c: {  	s1 =	rddreg [dreg:$0x1];
	p0 =	sne.s32 s2, $0x0  }
0x8d: {  	s3 =	rddreg [dreg:$0x2];
	[bflag:$0x3] =	sbarrier.arrive $0xFFFF;
	s2 =	simm.s32 @!p0 $0x1C03  }
0x8e: {  	[timem:s3], [sflag:s2] =	dma.local @!p0 [hbm:s0], s1  }
0x8f: {  	s0 =	simm.s32 @!p0 $0x3  }
0x90: {  	_ =	swait.ge @!p0 [sflag:s0], s1  }
0x91: {  	s1 =	ssub.s32 @!p0 $0x0, s1;
	[sflag:s0] =	ssyncset.done @!p0 $0x0  }
0x92: {  	[sflag:s0] =	ssyncadd.s32 @!p0 s1  }
0x93: {  	[bflag:$0x3] =	sbarrier.arrive $0xFFFF  }
0x94: {  	_ =	shalt  }

</sc_bundles>
